<compile_context>
chip_gen: v7x
topology: tpu7x:2x2x1
jax: 0.10.2.dev20260603
libtpu: 0.0.44.dev20260713+nightly
codegen_flags: <defaults>
</compile_context>

<pallas_src>
import functools

import jax
import jax.numpy as jnp
import numpy as np
from jax import lax
from jax.experimental import pallas as pl
from jax.experimental.pallas import tpu as pltpu
from jax.experimental.pallas import tpu_sc as plsc

_B = 16384
_NC, _NS = 2, 16
_NW = _NC * _NS
_BPW = _B // _NW
_NT = 100000
_TDR = _NT // 16
_RPT = 390
_RLAST = _TDR - 15 * _RPT
_LOG2PI = float(np.log(2.0 * np.pi))
_LN2 = 0.6931471805599453


def _sc_body(act_hbm, td16_hbm, m0_hbm, m1_hbm, l0_hbm, l1_hbm, out_hbm,
             act_v, tdv_v, idxt_v,
             bm0_v, bm1_v, bl0_v, bl1_v, buft_v, out_v, tmp_v, red_v,
             shared_v, sem_a, sem_b, sem_c):
    cid = lax.axis_index("c")
    sid = lax.axis_index("s")
    wid = cid * _NS + sid
    base = wid * _BPW
    i16 = lax.iota(jnp.int32, 16)
    f32 = jnp.float32

    is_last = sid == _NS - 1
    row0 = sid * _RPT

    @pl.when(jnp.logical_not(is_last))
    def _():
        pltpu.async_copy(td16_hbm.at[pl.ds(row0, _RPT)],
                         tdv_v.at[pl.ds(0, _RPT)], sem_a).wait()

    @pl.when(is_last)
    def _():
        pltpu.async_copy(td16_hbm.at[pl.ds(15 * _RPT, _RLAST)],
                         tdv_v, sem_a).wait()

    cp_act = pltpu.async_copy(act_hbm.at[pl.ds(base * 3, _BPW * 3)],
                              act_v, sem_b)

    cp_act.wait()

    def pidx(i, carry):
        rows = i16 + 16 * i
        ti = plsc.load_gather(act_v, [rows * 3]).astype(jnp.int32)
        plsc.store_scatter(idxt_v, [rows], lax.shift_right_logical(ti, 4))
        return carry

    lax.fori_loop(0, _BPW // 16, pidx, 0)
    g1 = pltpu.async_copy(td16_hbm.at[idxt_v], buft_v, sem_c)
    g2 = pltpu.async_copy(m0_hbm.at[idxt_v], bm0_v, sem_c)
    g3 = pltpu.async_copy(m1_hbm.at[idxt_v], bm1_v, sem_c)
    g4 = pltpu.async_copy(l0_hbm.at[idxt_v], bl0_v, sem_c)
    g5 = pltpu.async_copy(l1_hbm.at[idxt_v], bl1_v, sem_c)

    nrows = jnp.where(is_last, _RLAST, _RPT)

    def p1(j, m):
        x = plsc.load_gather(tdv_v, [jnp.broadcast_to(j, (16,)), i16])
        return jnp.maximum(m, x)

    m16 = lax.fori_loop(0, nrows, p1, jnp.full((16,), -jnp.inf, f32))
    mt = jnp.max(m16)
    tmp_v[...] = jnp.broadcast_to(mt, (16,))
    pltpu.sync_copy(tmp_v, shared_v.at[pl.ds(16 * sid, 16)])
    plsc.subcore_barrier()
    pltpu.sync_copy(shared_v.at[pl.ds(0, 256)], red_v)
    gmax = jnp.max(plsc.load_gather(red_v, [i16 * 16]))

    def p2(j, s):
        x = plsc.load_gather(tdv_v, [jnp.broadcast_to(j, (16,)), i16])
        return s + jnp.exp(x - gmax)

    s16 = lax.fori_loop(0, nrows, p2, jnp.zeros((16,), f32))
    st = jnp.sum(s16)
    tmp_v[...] = jnp.broadcast_to(st, (16,))
    pltpu.sync_copy(tmp_v, shared_v.at[pl.ds(256 + 16 * sid, 16)])
    plsc.subcore_barrier()
    pltpu.sync_copy(shared_v.at[pl.ds(256, 256)], red_v)
    s_tot = jnp.sum(plsc.load_gather(red_v, [i16 * 16]))

    sv = jnp.broadcast_to(s_tot, (16,))
    eb = jnp.right_shift(plsc.bitcast(sv, jnp.int32), 23) & 255
    y = (eb.astype(f32) - 126.5) * _LN2

    def pn(j, yy):
        return yy + sv * jnp.exp(-yy) - 1.0

    y = lax.fori_loop(0, 6, pn, y)
    logz = gmax + y

    g1.wait()
    g2.wait()
    g3.wait()
    g4.wait()
    g5.wait()

    def pc(i, carry):
        rows = i16 + 16 * i
        tf = plsc.load_gather(act_v, [rows * 3])
        px = plsc.load_gather(act_v, [rows * 3 + 1])
        py = plsc.load_gather(act_v, [rows * 3 + 2])
        ti = tf.astype(jnp.int32)
        ct = ti & 15
        mx = plsc.load_gather(bm0_v, [rows, ct])
        my = plsc.load_gather(bm1_v, [rows, ct])
        lx = plsc.load_gather(bl0_v, [rows, ct])
        ly = plsc.load_gather(bl1_v, [rows, ct])
        tg = plsc.load_gather(buft_v, [rows, ct])
        dx = px - mx
        dy = py - my
        q = dx * dx * jnp.exp(-lx) + dy * dy * jnp.exp(-ly)
        res = tg - logz - 0.5 * q - 0.5 * (lx + ly) - _LOG2PI
        plsc.store_scatter(out_v, [rows], res)
        return carry

    lax.fori_loop(0, _BPW // 16, pc, 0)
    pltpu.sync_copy(out_v, out_hbm.at[pl.ds(base, _BPW)])


@functools.cache
def _sc_kernel():
    return pl.kernel(
        _sc_body,
        out_type=jax.ShapeDtypeStruct((_B,), jnp.float32),
        mesh=plsc.VectorSubcoreMesh(core_axis_name="c", subcore_axis_name="s",
                                    num_cores=_NC, num_subcores=_NS),
        scratch_types=[
            pltpu.VMEM((_BPW * 3,), jnp.float32),
            pltpu.VMEM((_RLAST, 16), jnp.float32),
            pltpu.VMEM((_BPW,), jnp.int32),
            pltpu.VMEM((_BPW, 16), jnp.float32),
            pltpu.VMEM((_BPW, 16), jnp.float32),
            pltpu.VMEM((_BPW, 16), jnp.float32),
            pltpu.VMEM((_BPW, 16), jnp.float32),
            pltpu.VMEM((_BPW, 16), jnp.float32),
            pltpu.VMEM((_BPW,), jnp.float32),
            pltpu.VMEM((16,), jnp.float32),
            pltpu.VMEM((256,), jnp.float32),
            pltpu.VMEM_SHARED((512,), jnp.float32),
            pltpu.SemaphoreType.DMA,
            pltpu.SemaphoreType.DMA,
            pltpu.SemaphoreType.DMA,
        ],
        compiler_params=pltpu.CompilerParams(use_tc_tiling_on_sc=False,
                                             needs_layout_passes=False),
    )


def kernel(action, tool_distribution, log_std, means):
    return _sc_kernel()(
        action.reshape(-1),
        tool_distribution.reshape(-1, 16),
        means[:, 0].reshape(-1, 16),
        means[:, 1].reshape(-1, 16),
        log_std[:, 0].reshape(-1, 16),
        log_std[:, 1].reshape(-1, 16),
    )

# --- scband reference (transcript-rebuilt; emitter-appended) ---
"""Pipeline reference for scband-gaussian-tool-policy-22883585753615 (READ-ONLY COPY).

The authoritative reference and input builder live on the scoring server;
editing this copy changes nothing except your own understanding.
"""

import jax, jax.numpy as jnp
import numpy as np

NTOOLS = 100000
B = 16384

def setup_inputs(seed: int = 0) -> dict:
    key = jax.random.key(seed)
    # action[:, 0] must be a valid tool index in [0, NTOOLS); fill=randint cast to float32
    action = jax.random.randint(jax.random.fold_in(key, 0), (B, 3), 0, NTOOLS).astype(jnp.float32)
    # learned parameters, initialized exactly as in the torch module __init__
    tool_distribution = jnp.ones((NTOOLS,), dtype=jnp.float32)
    log_std = -1.79 * jnp.ones((NTOOLS, 2), dtype=jnp.float32)
    means = jnp.zeros((NTOOLS, 2), dtype=jnp.float32)
    return {"action": action, "tool_distribution": tool_distribution, "log_std": log_std, "means": means}


def reference(action, tool_distribution, log_std, means):
    # log_prob(action) from GaussianToolPolicy
    tool = action[:, 0].astype(jnp.int32)           # [B] gather indices
    placement = action[:, 1:]                        # [B, 2]
    # Categorical(logits=tool_distribution).log_prob(tool)
    logZ = jax.scipy.special.logsumexp(tool_distribution)
    tool_log_prob = jnp.take(tool_distribution, tool, axis=0) - logZ
    # MultivariateNormal(means[tool], diag(exp(log_std[tool]))).log_prob(placement)
    mu = jnp.take(means, tool, axis=0)               # [B, 2] gather
    ls = jnp.take(log_std, tool, axis=0)             # [B, 2] gather
    var = jnp.exp(ls)                                # covariance diagonal = exp(log_std)
    d = 2.0
    placement_log_prob = (-0.5 * jnp.sum((placement - mu) ** 2 / var, axis=-1)
                          - 0.5 * jnp.sum(ls, axis=-1)
                          - 0.5 * d * jnp.log(2.0 * jnp.pi))
    return tool_log_prob + placement_log_prob

if __name__ == "__main__":
    import jax
    _d = setup_inputs()
    print(jax.jit(kernel)(*tuple(_d.values())))

</pallas_src>

<mosaic_0001>
#map = affine_map<(d0, d1) -> (0)>
#map1 = affine_map<(d0, d1) -> (0, 0)>
module attributes {stable_mosaic.version = 14 : i64} {
  func.func @_sc_body(%arg0: i32, %arg1: i32, %arg2: memref<49152xf32, #tpu.memory_space<hbm>>, %arg3: memref<6250x16xf32, #tpu.memory_space<hbm>>, %arg4: memref<6250x16xf32, #tpu.memory_space<hbm>>, %arg5: memref<6250x16xf32, #tpu.memory_space<hbm>>, %arg6: memref<6250x16xf32, #tpu.memory_space<hbm>>, %arg7: memref<6250x16xf32, #tpu.memory_space<hbm>>, %arg8: memref<16384xf32, #tpu.memory_space<hbm>>, %arg9: memref<1536xf32, #tpu.memory_space<vmem>>, %arg10: memref<400x16xf32, #tpu.memory_space<vmem>>, %arg11: memref<512xi32, #tpu.memory_space<vmem>>, %arg12: memref<512x16xf32, #tpu.memory_space<vmem>>, %arg13: memref<512x16xf32, #tpu.memory_space<vmem>>, %arg14: memref<512x16xf32, #tpu.memory_space<vmem>>, %arg15: memref<512x16xf32, #tpu.memory_space<vmem>>, %arg16: memref<512x16xf32, #tpu.memory_space<vmem>>, %arg17: memref<512xf32, #tpu.memory_space<vmem>>, %arg18: memref<16xf32, #tpu.memory_space<vmem>>, %arg19: memref<256xf32, #tpu.memory_space<vmem>>, %arg20: memref<512xf32, #tpu.memory_space<vmem_shared>>, %arg21: memref<!tpu.dma_semaphore, #tpu.memory_space<semaphore_mem>>, %arg22: memref<!tpu.dma_semaphore, #tpu.memory_space<semaphore_mem>>, %arg23: memref<!tpu.dma_semaphore, #tpu.memory_space<semaphore_mem>>) attributes {dimension_semantics = [#tpu.dimension_semantics<core_parallel>, #tpu.dimension_semantics<subcore_parallel>], iteration_bounds = array<i64: 2, 16>, scalar_prefetch = 0 : i64, scratch_operands = 15 : i64, tpu.core_type = #tpu.core_type<sc_vector_subcore>, window_params = [{transform_indices = #map}, {transform_indices = #map1}, {transform_indices = #map1}, {transform_indices = #map1}, {transform_indices = #map1}, {transform_indices = #map1}, {transform_indices = #map}]} {
    %mul3A = arith.constant 16 : i32
    %mul3A_0 = arith.muli %arg0, %mul3A : i32
    %add3A = arith.addi %mul3A_0, %arg1 : i32
    %mul3A_1 = arith.constant 512 : i32
    %mul3A_2 = arith.muli %add3A, %mul3A_1 : i32
    %iota3A = tpu.iota {dimensions = array<i32: 0>} : vector<16xi32>
    %eq3A = arith.constant 15 : i32
    %eq3A_3 = arith.cmpi eq, %arg1, %eq3A : i32
    %mul3A_4 = arith.constant 390 : i32
    %mul3A_5 = arith.muli %arg1, %mul3A_4 : i32
    %not3A = arith.constant true
    %not3A_6 = arith.xori %eq3A_3, %not3A : i1
    %convert_element_type3A = arith.extui %not3A_6 : i1 to i32
    %cond3A = arith.constant 0 : i32
    %cond3A_7 = arith.cmpi ne, %convert_element_type3A, %cond3A : i32
    scf.if %cond3A_7 {
      %dma_start3A_133 = arith.constant 0 : i32
      %dma_start3A_134 = arith.constant 0 : i32
      %dma_start3A_135 = tpu.memref_slice %arg10[%dma_start3A_133, %dma_start3A_134] : memref<400x16xf32, #tpu.memory_space<vmem>> -> memref<390x16xf32, #tpu.memory_space<vmem>>
      %dma_start3A_136 = arith.constant 0 : i32
      %dma_start3A_137 = tpu.memref_slice %arg3[%mul3A_5, %dma_start3A_136] : memref<6250x16xf32, #tpu.memory_space<hbm>> -> memref<390x16xf32, #tpu.memory_space<hbm>>
      %dma_start3A_138 = arith.constant 0 : i32
      %dma_start3A_139 = arith.constant 0 : i32
      %dma_start3A_140 = tpu.memref_slice %arg10[%dma_start3A_138, %dma_start3A_139] : memref<400x16xf32, #tpu.memory_space<vmem>> -> memref<390x16xf32, #tpu.memory_space<vmem>>
      %dma_start3A_141 = arith.constant 0 : i32
      %dma_start3A_142 = tpu.memref_slice %arg3[%mul3A_5, %dma_start3A_141] : memref<6250x16xf32, #tpu.memory_space<hbm>> -> memref<390x16xf32, #tpu.memory_space<hbm>>
      tpu.enqueue_dma source(%dma_start3A_142 : memref<390x16xf32, #tpu.memory_space<hbm>>) target(%dma_start3A_140 : memref<390x16xf32, #tpu.memory_space<vmem>>) target_semaphore(%arg21 : memref<!tpu.dma_semaphore, #tpu.memory_space<semaphore_mem>>)
      %dma_wait3A_143 = arith.constant 0 : i32
      %dma_wait3A_144 = arith.constant 0 : i32
      %dma_wait3A_145 = tpu.memref_slice %arg10[%dma_wait3A_143, %dma_wait3A_144] : memref<400x16xf32, #tpu.memory_space<vmem>> -> memref<390x16xf32, #tpu.memory_space<vmem>>
      %dma_wait3A_146 = arith.constant 0 : i32
      %dma_wait3A_147 = tpu.memref_slice %arg3[%mul3A_5, %dma_wait3A_146] : memref<6250x16xf32, #tpu.memory_space<hbm>> -> memref<390x16xf32, #tpu.memory_space<hbm>>
      %dma_wait3A_148 = arith.constant 0 : i32
      %dma_wait3A_149 = arith.constant 0 : i32
      %dma_wait3A_150 = tpu.memref_slice %arg10[%dma_wait3A_148, %dma_wait3A_149] : memref<400x16xf32, #tpu.memory_space<vmem>> -> memref<390x16xf32, #tpu.memory_space<vmem>>
      %dma_wait3A_151 = arith.constant 0 : i32
      %dma_wait3A_152 = tpu.memref_slice %arg3[%mul3A_5, %dma_wait3A_151] : memref<6250x16xf32, #tpu.memory_space<hbm>> -> memref<390x16xf32, #tpu.memory_space<hbm>>
      tpu.wait_dma2 semaphore(%arg21 : memref<!tpu.dma_semaphore, #tpu.memory_space<semaphore_mem>>) src(%dma_wait3A_152 : memref<390x16xf32, #tpu.memory_space<hbm>>) dst(%dma_wait3A_150 : memref<390x16xf32, #tpu.memory_space<vmem>>)
    } else {
    }
    %convert_element_type3A_8 = arith.extui %eq3A_3 : i1 to i32
    %cond3A_9 = arith.constant 0 : i32
    %cond3A_10 = arith.cmpi ne, %convert_element_type3A_8, %cond3A_9 : i32
    scf.if %cond3A_10 {
      %dma_start3A_133 = arith.constant 5850 : i32
      %dma_start3A_134 = arith.constant 0 : i32
      %dma_start3A_135 = tpu.memref_slice %arg3[%dma_start3A_133, %dma_start3A_134] : memref<6250x16xf32, #tpu.memory_space<hbm>> -> memref<400x16xf32, #tpu.memory_space<hbm>>
      %dma_start3A_136 = arith.constant 5850 : i32
      %dma_start3A_137 = arith.constant 0 : i32
      %dma_start3A_138 = tpu.memref_slice %arg3[%dma_start3A_136, %dma_start3A_137] : memref<6250x16xf32, #tpu.memory_space<hbm>> -> memref<400x16xf32, #tpu.memory_space<hbm>>
      tpu.enqueue_dma source(%dma_start3A_138 : memref<400x16xf32, #tpu.memory_space<hbm>>) target(%arg10 : memref<400x16xf32, #tpu.memory_space<vmem>>) target_semaphore(%arg21 : memref<!tpu.dma_semaphore, #tpu.memory_space<semaphore_mem>>)
      %dma_wait3A_139 = arith.constant 5850 : i32
      %dma_wait3A_140 = arith.constant 0 : i32
      %dma_wait3A_141 = tpu.memref_slice %arg3[%dma_wait3A_139, %dma_wait3A_140] : memref<6250x16xf32, #tpu.memory_space<hbm>> -> memref<400x16xf32, #tpu.memory_space<hbm>>
      %dma_wait3A_142 = arith.constant 5850 : i32
      %dma_wait3A_143 = arith.constant 0 : i32
      %dma_wait3A_144 = tpu.memref_slice %arg3[%dma_wait3A_142, %dma_wait3A_143] : memref<6250x16xf32, #tpu.memory_space<hbm>> -> memref<400x16xf32, #tpu.memory_space<hbm>>
      tpu.wait_dma2 semaphore(%arg21 : memref<!tpu.dma_semaphore, #tpu.memory_space<semaphore_mem>>) src(%dma_wait3A_144 : memref<400x16xf32, #tpu.memory_space<hbm>>) dst(%arg10 : memref<400x16xf32, #tpu.memory_space<vmem>>)
    } else {
    }
    %mul3A_11 = arith.constant 3 : i32
    %mul3A_12 = arith.muli %mul3A_2, %mul3A_11 : i32
    %dma_start3A = tpu.memref_slice %arg2[%mul3A_12] : memref<49152xf32, #tpu.memory_space<hbm>> -> memref<1536xf32, #tpu.memory_space<hbm>>
    %dma_start3A_13 = tpu.memref_slice %arg2[%mul3A_12] : memref<49152xf32, #tpu.memory_space<hbm>> -> memref<1536xf32, #tpu.memory_space<hbm>>
    tpu.enqueue_dma source(%dma_start3A_13 : memref<1536xf32, #tpu.memory_space<hbm>>) target(%arg9 : memref<1536xf32, #tpu.memory_space<vmem>>) target_semaphore(%arg22 : memref<!tpu.dma_semaphore, #tpu.memory_space<semaphore_mem>>)
    %dma_wait3A = tpu.memref_slice %arg2[%mul3A_12] : memref<49152xf32, #tpu.memory_space<hbm>> -> memref<1536xf32, #tpu.memory_space<hbm>>
    %dma_wait3A_14 = tpu.memref_slice %arg2[%mul3A_12] : memref<49152xf32, #tpu.memory_space<hbm>> -> memref<1536xf32, #tpu.memory_space<hbm>>
    tpu.wait_dma2 semaphore(%arg22 : memref<!tpu.dma_semaphore, #tpu.memory_space<semaphore_mem>>) src(%dma_wait3A_14 : memref<1536xf32, #tpu.memory_space<hbm>>) dst(%arg9 : memref<1536xf32, #tpu.memory_space<vmem>>)
    %scan3A = arith.constant 0 : i32
    %scan3A_15 = arith.constant 0 : i32
    %scan3A_16 = arith.constant 32 : i32
    %scan3A_17 = arith.addi %scan3A_15, %scan3A_16 : i32
    %scan3A_18 = arith.constant 1 : i32
    scf.for %scan3A_133 = %scan3A_15 to %scan3A_17 step %scan3A_18  : i32 {
      %mul3A_134 = arith.constant 16 : i32
      %mul3A_135 = arith.muli %mul3A_134, %scan3A_133 : i32
      %add3A_136 = vector.broadcast %mul3A_135 : i32 to vector<16xi32>
      %add3A_137 = arith.addi %iota3A, %add3A_136 : vector<16xi32>
      %mul3A_138 = arith.constant 3 : i32
      %mul3A_139 = vector.broadcast %mul3A_138 : i32 to vector<16xi32>
      %mul3A_140 = arith.muli %add3A_137, %mul3A_139 : vector<16xi32>
      %gather3A_141 = tpu.vector_load_idx %arg9[%mul3A_140] : memref<1536xf32, #tpu.memory_space<vmem>>[vector<16xi32>], vector<16xf32>,
      %convert_element_type3A_142 = arith.fptosi %gather3A_141 : vector<16xf32> to vector<16xi32>
      %shift_right_logical3A = arith.constant 4 : i32
      %shift_right_logical3A_143 = vector.broadcast %shift_right_logical3A : i32 to vector<16xi32>
      %shift_right_logical3A_144 = arith.shrui %convert_element_type3A_142, %shift_right_logical3A_143 : vector<16xi32>
      tpu.vector_store_idx %arg11[%add3A_137], %shift_right_logical3A_144 : memref<512xi32, #tpu.memory_space<vmem>>[vector<16xi32>], vector<16xi32>,
    }
    %scan3A_19 = arith.constant 32 : i32
    %dma_start3A_20 = arith.constant 0 : i32
    %dma_start3A_21 = arith.constant 0 : i32
    %dma_start3A_22 = tpu.memref_slice %arg3[%dma_start3A_20, %dma_start3A_21] : memref<6250x16xf32, #tpu.memory_space<hbm>> -> memref<6250x16xf32, #tpu.memory_space<hbm>>
    tpu.enqueue_indirect_dma source(%dma_start3A_22 : memref<6250x16xf32, #tpu.memory_space<hbm>>) target(%arg16 : memref<512x16xf32, #tpu.memory_space<vmem>>) offsets(%arg11 : memref<512xi32, #tpu.memory_space<vmem>>) semaphore(%arg23 : memref<!tpu.dma_semaphore, #tpu.memory_space<semaphore_mem>>)
    %dma_start3A_23 = arith.constant 0 : i32
    %dma_start3A_24 = arith.constant 0 : i32
    %dma_start3A_25 = tpu.memref_slice %arg4[%dma_start3A_23, %dma_start3A_24] : memref<6250x16xf32, #tpu.memory_space<hbm>> -> memref<6250x16xf32, #tpu.memory_space<hbm>>
    tpu.enqueue_indirect_dma source(%dma_start3A_25 : memref<6250x16xf32, #tpu.memory_space<hbm>>) target(%arg12 : memref<512x16xf32, #tpu.memory_space<vmem>>) offsets(%arg11 : memref<512xi32, #tpu.memory_space<vmem>>) semaphore(%arg23 : memref<!tpu.dma_semaphore, #tpu.memory_space<semaphore_mem>>)
    %dma_start3A_26 = arith.constant 0 : i32
    %dma_start3A_27 = arith.constant 0 : i32
    %dma_start3A_28 = tpu.memref_slice %arg5[%dma_start3A_26, %dma_start3A_27] : memref<6250x16xf32, #tpu.memory_space<hbm>> -> memref<6250x16xf32, #tpu.memory_space<hbm>>
    tpu.enqueue_indirect_dma source(%dma_start3A_28 : memref<6250x16xf32, #tpu.memory_space<hbm>>) target(%arg13 : memref<512x16xf32, #tpu.memory_space<vmem>>) offsets(%arg11 : memref<512xi32, #tpu.memory_space<vmem>>) semaphore(%arg23 : memref<!tpu.dma_semaphore, #tpu.memory_space<semaphore_mem>>)
    %dma_start3A_29 = arith.constant 0 : i32
    %dma_start3A_30 = arith.constant 0 : i32
    %dma_start3A_31 = tpu.memref_slice %arg6[%dma_start3A_29, %dma_start3A_30] : memref<6250x16xf32, #tpu.memory_space<hbm>> -> memref<6250x16xf32, #tpu.memory_space<hbm>>
    tpu.enqueue_indirect_dma source(%dma_start3A_31 : memref<6250x16xf32, #tpu.memory_space<hbm>>) target(%arg14 : memref<512x16xf32, #tpu.memory_space<vmem>>) offsets(%arg11 : memref<512xi32, #tpu.memory_space<vmem>>) semaphore(%arg23 : memref<!tpu.dma_semaphore, #tpu.memory_space<semaphore_mem>>)
    %dma_start3A_32 = arith.constant 0 : i32
    %dma_start3A_33 = arith.constant 0 : i32
    %dma_start3A_34 = tpu.memref_slice %arg7[%dma_start3A_32, %dma_start3A_33] : memref<6250x16xf32, #tpu.memory_space<hbm>> -> memref<6250x16xf32, #tpu.memory_space<hbm>>
    tpu.enqueue_indirect_dma source(%dma_start3A_34 : memref<6250x16xf32, #tpu.memory_space<hbm>>) target(%arg15 : memref<512x16xf32, #tpu.memory_space<vmem>>) offsets(%arg11 : memref<512xi32, #tpu.memory_space<vmem>>) semaphore(%arg23 : memref<!tpu.dma_semaphore, #tpu.memory_space<semaphore_mem>>)
    %jit3A = arith.constant 400 : i32
    %jit3A_35 = arith.constant 390 : i32
    %select_n3A = arith.select %eq3A_3, %jit3A, %jit3A_35 : i32
    %broadcast_in_dim3A = arith.constant 0xFF800000 : f32
    %broadcast_in_dim3A_36 = vector.broadcast %broadcast_in_dim3A : f32 to vector<16xf32>
    %while3A = arith.constant 0 : i32
    %while3A_37 = arith.subi %select_n3A, %while3A : i32
    %while3A_38 = arith.addi %while3A, %while3A_37 : i32
    %while3A_39 = arith.constant 1 : i32
    %while3A_40 = arith.divsi %while3A_37, %while3A_39 : i32
    %while3A_41 = arith.muli %while3A_40, %while3A_39 : i32
    %while3A_42 = arith.addi %while3A, %while3A_41 : i32
    %while3A_43 = arith.constant 1 : i32
    %while3A_44 = scf.for %while3A_133 = %while3A to %while3A_42 step %while3A_43 iter_args(%while3A_134 = %broadcast_in_dim3A_36) -> (vector<16xf32>)  : i32 {
      %broadcast_in_dim3A_135 = vector.broadcast %while3A_133 : i32 to vector<16xi32>
      %gather3A_136 = tpu.vector_load_idx %arg10[%broadcast_in_dim3A_135, %iota3A] : memref<400x16xf32, #tpu.memory_space<vmem>>[vector<16xi32>, vector<16xi32>], vector<16xf32>,
      %max3A = arith.maximumf %while3A_134, %gather3A_136 : vector<16xf32>
      scf.yield %max3A : vector<16xf32>
    }
    %while3A_45 = arith.constant 1 : i32
    %while3A_46 = scf.for %while3A_133 = %while3A_42 to %while3A_38 step %while3A_45 iter_args(%while3A_134 = %while3A_44) -> (vector<16xf32>)  : i32 {
      %broadcast_in_dim3A_135 = vector.broadcast %while3A_133 : i32 to vector<16xi32>
      %gather3A_136 = tpu.vector_load_idx %arg10[%broadcast_in_dim3A_135, %iota3A] : memref<400x16xf32, #tpu.memory_space<vmem>>[vector<16xi32>, vector<16xi32>], vector<16xf32>,
      %max3A = arith.maximumf %while3A_134, %gather3A_136 : vector<16xf32>
      scf.yield %max3A : vector<16xf32>
    }
    %reduce_max3A = arith.constant true
    %reduce_max3A_47 = vector.broadcast %reduce_max3A : i1 to vector<16xi1>
    %reduce_max3A_48 = tpu.scan <max>, %while3A_46 masked %reduce_max3A_47 : vector<16xf32>, vector<16xi1> -> vector<16xf32>
    %reduce_max3A_49 = vector.extract %reduce_max3A_48[15] : f32 from vector<16xf32>
    %broadcast_in_dim3A_50 = vector.broadcast %reduce_max3A_49 : f32 to vector<16xf32>
    %swap3A = arith.constant 0 : index
    %swap3A_51 = tpu.vector_load %arg18[%swap3A] {strides = array<i32>} : memref<16xf32, #tpu.memory_space<vmem>>, vector<16xf32>,
    tpu.vector_store %arg18[%swap3A], %broadcast_in_dim3A_50 {strides = array<i32>} : memref<16xf32, #tpu.memory_space<vmem>>, vector<16xf32>,
    %mul3A_52 = arith.constant 16 : i32
    %mul3A_53 = arith.muli %mul3A_52, %arg1 : i32
    "tpu.region"() ({
      %run_scoped3A = tpu.sem_alloc : memref<!tpu.dma_semaphore, #tpu.memory_space<semaphore_mem>>
      %dma_start3A_133 = tpu.memref_slice %arg20[%mul3A_53] : memref<512xf32, #tpu.memory_space<vmem_shared>> -> memref<16xf32, #tpu.memory_space<vmem_shared>>
      %dma_start3A_134 = tpu.memref_slice %arg20[%mul3A_53] : memref<512xf32, #tpu.memory_space<vmem_shared>> -> memref<16xf32, #tpu.memory_space<vmem_shared>>
      tpu.enqueue_dma source(%arg18 : memref<16xf32, #tpu.memory_space<vmem>>) target(%dma_start3A_134 : memref<16xf32, #tpu.memory_space<vmem_shared>>) target_semaphore(%run_scoped3A : memref<!tpu.dma_semaphore, #tpu.memory_space<semaphore_mem>>)
      %dma_wait3A_135 = tpu.memref_slice %arg20[%mul3A_53] : memref<512xf32, #tpu.memory_space<vmem_shared>> -> memref<16xf32, #tpu.memory_space<vmem_shared>>
      %dma_wait3A_136 = tpu.memref_slice %arg20[%mul3A_53] : memref<512xf32, #tpu.memory_space<vmem_shared>> -> memref<16xf32, #tpu.memory_space<vmem_shared>>
      tpu.wait_dma2 semaphore(%run_scoped3A : memref<!tpu.dma_semaphore, #tpu.memory_space<semaphore_mem>>) src(%arg18 : memref<16xf32, #tpu.memory_space<vmem>>) dst(%dma_wait3A_136 : memref<16xf32, #tpu.memory_space<vmem_shared>>)
      tpu.yield
    }) : () -> ()
    %barrier3A = arith.constant 0 : index
    tpu.barrier barrier_id(%barrier3A)
    "tpu.region"() ({
      %run_scoped3A = tpu.sem_alloc : memref<!tpu.dma_semaphore, #tpu.memory_space<semaphore_mem>>
      %dma_start3A_133 = arith.constant 0 : i32
      %dma_start3A_134 = tpu.memref_slice %arg20[%dma_start3A_133] : memref<512xf32, #tpu.memory_space<vmem_shared>> -> memref<256xf32, #tpu.memory_space<vmem_shared>>
      %dma_start3A_135 = arith.constant 0 : i32
      %dma_start3A_136 = tpu.memref_slice %arg20[%dma_start3A_135] : memref<512xf32, #tpu.memory_space<vmem_shared>> -> memref<256xf32, #tpu.memory_space<vmem_shared>>
      tpu.enqueue_dma source(%dma_start3A_136 : memref<256xf32, #tpu.memory_space<vmem_shared>>) target(%arg19 : memref<256xf32, #tpu.memory_space<vmem>>) target_semaphore(%run_scoped3A : memref<!tpu.dma_semaphore, #tpu.memory_space<semaphore_mem>>)
      %dma_wait3A_137 = arith.constant 0 : i32
      %dma_wait3A_138 = tpu.memref_slice %arg20[%dma_wait3A_137] : memref<512xf32, #tpu.memory_space<vmem_shared>> -> memref<256xf32, #tpu.memory_space<vmem_shared>>
      %dma_wait3A_139 = arith.constant 0 : i32
      %dma_wait3A_140 = tpu.memref_slice %arg20[%dma_wait3A_139] : memref<512xf32, #tpu.memory_space<vmem_shared>> -> memref<256xf32, #tpu.memory_space<vmem_shared>>
      tpu.wait_dma2 semaphore(%run_scoped3A : memref<!tpu.dma_semaphore, #tpu.memory_space<semaphore_mem>>) src(%dma_wait3A_140 : memref<256xf32, #tpu.memory_space<vmem_shared>>) dst(%arg19 : memref<256xf32, #tpu.memory_space<vmem>>)
      tpu.yield
    }) : () -> ()
    %mul3A_54 = arith.constant 16 : i32
    %mul3A_55 = vector.broadcast %mul3A_54 : i32 to vector<16xi32>
    %mul3A_56 = arith.muli %iota3A, %mul3A_55 : vector<16xi32>
    %gather3A = tpu.vector_load_idx %arg19[%mul3A_56] : memref<256xf32, #tpu.memory_space<vmem>>[vector<16xi32>], vector<16xf32>,
    %reduce_max3A_57 = arith.constant true
    %reduce_max3A_58 = vector.broadcast %reduce_max3A_57 : i1 to vector<16xi1>
    %reduce_max3A_59 = tpu.scan <max>, %gather3A masked %reduce_max3A_58 : vector<16xf32>, vector<16xi1> -> vector<16xf32>
    %reduce_max3A_60 = vector.extract %reduce_max3A_59[15] : f32 from vector<16xf32>
    %broadcast_in_dim3A_61 = arith.constant 0.000000e+00 : f32
    %broadcast_in_dim3A_62 = vector.broadcast %broadcast_in_dim3A_61 : f32 to vector<16xf32>
    %while3A_63 = arith.constant 0 : i32
    %while3A_64 = arith.subi %select_n3A, %while3A_63 : i32
    %while3A_65 = arith.addi %while3A_63, %while3A_64 : i32
    %while3A_66 = arith.constant 1 : i32
    %while3A_67 = arith.divsi %while3A_64, %while3A_66 : i32
    %while3A_68 = arith.muli %while3A_67, %while3A_66 : i32
    %while3A_69 = arith.addi %while3A_63, %while3A_68 : i32
    %while3A_70 = arith.constant 1 : i32
    %while3A_71 = scf.for %while3A_133 = %while3A_63 to %while3A_69 step %while3A_70 iter_args(%while3A_134 = %broadcast_in_dim3A_62) -> (vector<16xf32>)  : i32 {
      %broadcast_in_dim3A_135 = vector.broadcast %while3A_133 : i32 to vector<16xi32>
      %gather3A_136 = tpu.vector_load_idx %arg10[%broadcast_in_dim3A_135, %iota3A] : memref<400x16xf32, #tpu.memory_space<vmem>>[vector<16xi32>, vector<16xi32>], vector<16xf32>,
      %sub3A_137 = vector.broadcast %reduce_max3A_60 : f32 to vector<16xf32>
      %sub3A_138 = arith.subf %gather3A_136, %sub3A_137 : vector<16xf32>
      %exp3A = math.exp %sub3A_138 : vector<16xf32>
      %add3A_139 = arith.addf %while3A_134, %exp3A : vector<16xf32>
      scf.yield %add3A_139 : vector<16xf32>
    }
    %while3A_72 = arith.constant 1 : i32
    %while3A_73 = scf.for %while3A_133 = %while3A_69 to %while3A_65 step %while3A_72 iter_args(%while3A_134 = %while3A_71) -> (vector<16xf32>)  : i32 {
      %broadcast_in_dim3A_135 = vector.broadcast %while3A_133 : i32 to vector<16xi32>
      %gather3A_136 = tpu.vector_load_idx %arg10[%broadcast_in_dim3A_135, %iota3A] : memref<400x16xf32, #tpu.memory_space<vmem>>[vector<16xi32>, vector<16xi32>], vector<16xf32>,
      %sub3A_137 = vector.broadcast %reduce_max3A_60 : f32 to vector<16xf32>
      %sub3A_138 = arith.subf %gather3A_136, %sub3A_137 : vector<16xf32>
      %exp3A = math.exp %sub3A_138 : vector<16xf32>
      %add3A_139 = arith.addf %while3A_134, %exp3A : vector<16xf32>
      scf.yield %add3A_139 : vector<16xf32>
    }
    %reduce_sum3A = arith.constant true
    %reduce_sum3A_74 = vector.broadcast %reduce_sum3A : i1 to vector<16xi1>
    %reduce_sum3A_75 = tpu.scan <sum>, %while3A_73 masked %reduce_sum3A_74 : vector<16xf32>, vector<16xi1> -> vector<16xf32>
    %reduce_sum3A_76 = vector.extract %reduce_sum3A_75[15] : f32 from vector<16xf32>
    %broadcast_in_dim3A_77 = vector.broadcast %reduce_sum3A_76 : f32 to vector<16xf32>
    %swap3A_78 = arith.constant 0 : index
    %swap3A_79 = tpu.vector_load %arg18[%swap3A_78] {strides = array<i32>} : memref<16xf32, #tpu.memory_space<vmem>>, vector<16xf32>,
    tpu.vector_store %arg18[%swap3A_78], %broadcast_in_dim3A_77 {strides = array<i32>} : memref<16xf32, #tpu.memory_space<vmem>>, vector<16xf32>,
    %mul3A_80 = arith.constant 16 : i32
    %mul3A_81 = arith.muli %mul3A_80, %arg1 : i32
    %add3A_82 = arith.constant 256 : i32
    %add3A_83 = arith.addi %add3A_82, %mul3A_81 : i32
    "tpu.region"() ({
      %run_scoped3A = tpu.sem_alloc : memref<!tpu.dma_semaphore, #tpu.memory_space<semaphore_mem>>
      %dma_start3A_133 = tpu.memref_slice %arg20[%add3A_83] : memref<512xf32, #tpu.memory_space<vmem_shared>> -> memref<16xf32, #tpu.memory_space<vmem_shared>>
      %dma_start3A_134 = tpu.memref_slice %arg20[%add3A_83] : memref<512xf32, #tpu.memory_space<vmem_shared>> -> memref<16xf32, #tpu.memory_space<vmem_shared>>
      tpu.enqueue_dma source(%arg18 : memref<16xf32, #tpu.memory_space<vmem>>) target(%dma_start3A_134 : memref<16xf32, #tpu.memory_space<vmem_shared>>) target_semaphore(%run_scoped3A : memref<!tpu.dma_semaphore, #tpu.memory_space<semaphore_mem>>)
      %dma_wait3A_135 = tpu.memref_slice %arg20[%add3A_83] : memref<512xf32, #tpu.memory_space<vmem_shared>> -> memref<16xf32, #tpu.memory_space<vmem_shared>>
      %dma_wait3A_136 = tpu.memref_slice %arg20[%add3A_83] : memref<512xf32, #tpu.memory_space<vmem_shared>> -> memref<16xf32, #tpu.memory_space<vmem_shared>>
      tpu.wait_dma2 semaphore(%run_scoped3A : memref<!tpu.dma_semaphore, #tpu.memory_space<semaphore_mem>>) src(%arg18 : memref<16xf32, #tpu.memory_space<vmem>>) dst(%dma_wait3A_136 : memref<16xf32, #tpu.memory_space<vmem_shared>>)
      tpu.yield
    }) : () -> ()
    %barrier3A_84 = arith.constant 0 : index
    tpu.barrier barrier_id(%barrier3A_84)
    "tpu.region"() ({
      %run_scoped3A = tpu.sem_alloc : memref<!tpu.dma_semaphore, #tpu.memory_space<semaphore_mem>>
      %dma_start3A_133 = arith.constant 256 : i32
      %dma_start3A_134 = tpu.memref_slice %arg20[%dma_start3A_133] : memref<512xf32, #tpu.memory_space<vmem_shared>> -> memref<256xf32, #tpu.memory_space<vmem_shared>>
      %dma_start3A_135 = arith.constant 256 : i32
      %dma_start3A_136 = tpu.memref_slice %arg20[%dma_start3A_135] : memref<512xf32, #tpu.memory_space<vmem_shared>> -> memref<256xf32, #tpu.memory_space<vmem_shared>>
      tpu.enqueue_dma source(%dma_start3A_136 : memref<256xf32, #tpu.memory_space<vmem_shared>>) target(%arg19 : memref<256xf32, #tpu.memory_space<vmem>>) target_semaphore(%run_scoped3A : memref<!tpu.dma_semaphore, #tpu.memory_space<semaphore_mem>>)
      %dma_wait3A_137 = arith.constant 256 : i32
      %dma_wait3A_138 = tpu.memref_slice %arg20[%dma_wait3A_137] : memref<512xf32, #tpu.memory_space<vmem_shared>> -> memref<256xf32, #tpu.memory_space<vmem_shared>>
      %dma_wait3A_139 = arith.constant 256 : i32
      %dma_wait3A_140 = tpu.memref_slice %arg20[%dma_wait3A_139] : memref<512xf32, #tpu.memory_space<vmem_shared>> -> memref<256xf32, #tpu.memory_space<vmem_shared>>
      tpu.wait_dma2 semaphore(%run_scoped3A : memref<!tpu.dma_semaphore, #tpu.memory_space<semaphore_mem>>) src(%dma_wait3A_140 : memref<256xf32, #tpu.memory_space<vmem_shared>>) dst(%arg19 : memref<256xf32, #tpu.memory_space<vmem>>)
      tpu.yield
    }) : () -> ()
    %mul3A_85 = arith.constant 16 : i32
    %mul3A_86 = vector.broadcast %mul3A_85 : i32 to vector<16xi32>
    %mul3A_87 = arith.muli %iota3A, %mul3A_86 : vector<16xi32>
    %gather3A_88 = tpu.vector_load_idx %arg19[%mul3A_87] : memref<256xf32, #tpu.memory_space<vmem>>[vector<16xi32>], vector<16xf32>,
    %reduce_sum3A_89 = arith.constant true
    %reduce_sum3A_90 = vector.broadcast %reduce_sum3A_89 : i1 to vector<16xi1>
    %reduce_sum3A_91 = tpu.scan <sum>, %gather3A_88 masked %reduce_sum3A_90 : vector<16xf32>, vector<16xi1> -> vector<16xf32>
    %reduce_sum3A_92 = vector.extract %reduce_sum3A_91[15] : f32 from vector<16xf32>
    %broadcast_in_dim3A_93 = vector.broadcast %reduce_sum3A_92 : f32 to vector<16xf32>
    %bitcast3A = vector.bitcast %broadcast_in_dim3A_93 : vector<16xf32> to vector<16xi32>
    %shift_right_arithmetic3A = arith.constant 23 : i32
    %shift_right_arithmetic3A_94 = vector.broadcast %shift_right_arithmetic3A : i32 to vector<16xi32>
    %shift_right_arithmetic3A_95 = arith.shrsi %bitcast3A, %shift_right_arithmetic3A_94 : vector<16xi32>
    %and3A = arith.constant 255 : i32
    %and3A_96 = vector.broadcast %and3A : i32 to vector<16xi32>
    %and3A_97 = arith.andi %shift_right_arithmetic3A_95, %and3A_96 : vector<16xi32>
    %convert_element_type3A_98 = arith.sitofp %and3A_97 : vector<16xi32> to vector<16xf32>
    %sub3A = arith.constant 1.265000e+02 : f32
    %sub3A_99 = vector.broadcast %sub3A : f32 to vector<16xf32>
    %sub3A_100 = arith.subf %convert_element_type3A_98, %sub3A_99 : vector<16xf32>
    %mul3A_101 = arith.constant 0.693147182 : f32
    %mul3A_102 = vector.broadcast %mul3A_101 : f32 to vector<16xf32>
    %mul3A_103 = arith.mulf %sub3A_100, %mul3A_102 : vector<16xf32>
    %scan3A_104 = arith.constant 0 : i32
    %scan3A_105 = arith.constant 6 : i32
    %scan3A_106 = arith.addi %scan3A_104, %scan3A_105 : i32
    %scan3A_107 = arith.constant 1 : i32
    %scan3A_108 = scf.for %scan3A_133 = %scan3A_104 to %scan3A_106 step %scan3A_107 iter_args(%scan3A_134 = %mul3A_103) -> (vector<16xf32>)  : i32 {
      %neg3A = arith.constant 0.000000e+00 : f32
      %neg3A_135 = vector.broadcast %neg3A : f32 to vector<16xf32>
      %neg3A_136 = arith.subf %neg3A_135, %scan3A_134 : vector<16xf32>
      %exp3A = math.exp %neg3A_136 : vector<16xf32>
      %mul3A_137 = arith.mulf %broadcast_in_dim3A_93, %exp3A : vector<16xf32>
      %add3A_138 = arith.addf %scan3A_134, %mul3A_137 : vector<16xf32>
      %sub3A_139 = arith.constant 1.000000e+00 : f32
      %sub3A_140 = vector.broadcast %sub3A_139 : f32 to vector<16xf32>
      %sub3A_141 = arith.subf %add3A_138, %sub3A_140 : vector<16xf32>
      scf.yield %sub3A_141 : vector<16xf32>
    }
    %scan3A_109 = arith.constant 6 : i32
    %add3A_110 = vector.broadcast %reduce_max3A_60 : f32 to vector<16xf32>
    %add3A_111 = arith.addf %add3A_110, %scan3A_108 : vector<16xf32>
    %dma_wait3A_112 = arith.constant 0 : i32
    %dma_wait3A_113 = arith.constant 0 : i32
    %dma_wait3A_114 = tpu.memref_slice %arg3[%dma_wait3A_112, %dma_wait3A_113] : memref<6250x16xf32, #tpu.memory_space<hbm>> -> memref<6250x16xf32, #tpu.memory_space<hbm>>
    tpu.wait_indirect_dma semaphore(%arg23 : memref<!tpu.dma_semaphore, #tpu.memory_space<semaphore_mem>>) src(%dma_wait3A_114 : memref<6250x16xf32, #tpu.memory_space<hbm>>) dst(%arg16 : memref<512x16xf32, #tpu.memory_space<vmem>>)
    %dma_wait3A_115 = arith.constant 0 : i32
    %dma_wait3A_116 = arith.constant 0 : i32
    %dma_wait3A_117 = tpu.memref_slice %arg4[%dma_wait3A_115, %dma_wait3A_116] : memref<6250x16xf32, #tpu.memory_space<hbm>> -> memref<6250x16xf32, #tpu.memory_space<hbm>>
    tpu.wait_indirect_dma semaphore(%arg23 : memref<!tpu.dma_semaphore, #tpu.memory_space<semaphore_mem>>) src(%dma_wait3A_117 : memref<6250x16xf32, #tpu.memory_space<hbm>>) dst(%arg12 : memref<512x16xf32, #tpu.memory_space<vmem>>)
    %dma_wait3A_118 = arith.constant 0 : i32
    %dma_wait3A_119 = arith.constant 0 : i32
    %dma_wait3A_120 = tpu.memref_slice %arg5[%dma_wait3A_118, %dma_wait3A_119] : memref<6250x16xf32, #tpu.memory_space<hbm>> -> memref<6250x16xf32, #tpu.memory_space<hbm>>
    tpu.wait_indirect_dma semaphore(%arg23 : memref<!tpu.dma_semaphore, #tpu.memory_space<semaphore_mem>>) src(%dma_wait3A_120 : memref<6250x16xf32, #tpu.memory_space<hbm>>) dst(%arg13 : memref<512x16xf32, #tpu.memory_space<vmem>>)
    %dma_wait3A_121 = arith.constant 0 : i32
    %dma_wait3A_122 = arith.constant 0 : i32
    %dma_wait3A_123 = tpu.memref_slice %arg6[%dma_wait3A_121, %dma_wait3A_122] : memref<6250x16xf32, #tpu.memory_space<hbm>> -> memref<6250x16xf32, #tpu.memory_space<hbm>>
    tpu.wait_indirect_dma semaphore(%arg23 : memref<!tpu.dma_semaphore, #tpu.memory_space<semaphore_mem>>) src(%dma_wait3A_123 : memref<6250x16xf32, #tpu.memory_space<hbm>>) dst(%arg14 : memref<512x16xf32, #tpu.memory_space<vmem>>)
    %dma_wait3A_124 = arith.constant 0 : i32
    %dma_wait3A_125 = arith.constant 0 : i32
    %dma_wait3A_126 = tpu.memref_slice %arg7[%dma_wait3A_124, %dma_wait3A_125] : memref<6250x16xf32, #tpu.memory_space<hbm>> -> memref<6250x16xf32, #tpu.memory_space<hbm>>
    tpu.wait_indirect_dma semaphore(%arg23 : memref<!tpu.dma_semaphore, #tpu.memory_space<semaphore_mem>>) src(%dma_wait3A_126 : memref<6250x16xf32, #tpu.memory_space<hbm>>) dst(%arg15 : memref<512x16xf32, #tpu.memory_space<vmem>>)
    %scan3A_127 = arith.constant 0 : i32
    %scan3A_128 = arith.constant 0 : i32
    %scan3A_129 = arith.constant 32 : i32
    %scan3A_130 = arith.addi %scan3A_128, %scan3A_129 : i32
    %scan3A_131 = arith.constant 1 : i32
    scf.for %scan3A_133 = %scan3A_128 to %scan3A_130 step %scan3A_131  : i32 {
      %mul3A_134 = arith.constant 16 : i32
      %mul3A_135 = arith.muli %mul3A_134, %scan3A_133 : i32
      %add3A_136 = vector.broadcast %mul3A_135 : i32 to vector<16xi32>
      %add3A_137 = arith.addi %iota3A, %add3A_136 : vector<16xi32>
      %mul3A_138 = arith.constant 3 : i32
      %mul3A_139 = vector.broadcast %mul3A_138 : i32 to vector<16xi32>
      %mul3A_140 = arith.muli %add3A_137, %mul3A_139 : vector<16xi32>
      %gather3A_141 = tpu.vector_load_idx %arg9[%mul3A_140] : memref<1536xf32, #tpu.memory_space<vmem>>[vector<16xi32>], vector<16xf32>,
      %mul3A_142 = arith.constant 3 : i32
      %mul3A_143 = vector.broadcast %mul3A_142 : i32 to vector<16xi32>
      %mul3A_144 = arith.muli %add3A_137, %mul3A_143 : vector<16xi32>
      %add3A_145 = arith.constant 1 : i32
      %add3A_146 = vector.broadcast %add3A_145 : i32 to vector<16xi32>
      %add3A_147 = arith.addi %mul3A_144, %add3A_146 : vector<16xi32>
      %gather3A_148 = tpu.vector_load_idx %arg9[%add3A_147] : memref<1536xf32, #tpu.memory_space<vmem>>[vector<16xi32>], vector<16xf32>,
      %mul3A_149 = arith.constant 3 : i32
      %mul3A_150 = vector.broadcast %mul3A_149 : i32 to vector<16xi32>
      %mul3A_151 = arith.muli %add3A_137, %mul3A_150 : vector<16xi32>
      %add3A_152 = arith.constant 2 : i32
      %add3A_153 = vector.broadcast %add3A_152 : i32 to vector<16xi32>
      %add3A_154 = arith.addi %mul3A_151, %add3A_153 : vector<16xi32>
      %gather3A_155 = tpu.vector_load_idx %arg9[%add3A_154] : memref<1536xf32, #tpu.memory_space<vmem>>[vector<16xi32>], vector<16xf32>,
      %convert_element_type3A_156 = arith.fptosi %gather3A_141 : vector<16xf32> to vector<16xi32>
      %and3A_157 = arith.constant 15 : i32
      %and3A_158 = vector.broadcast %and3A_157 : i32 to vector<16xi32>
      %and3A_159 = arith.andi %convert_element_type3A_156, %and3A_158 : vector<16xi32>
      %gather3A_160 = tpu.vector_load_idx %arg12[%add3A_137, %and3A_159] : memref<512x16xf32, #tpu.memory_space<vmem>>[vector<16xi32>, vector<16xi32>], vector<16xf32>,
      %gather3A_161 = tpu.vector_load_idx %arg13[%add3A_137, %and3A_159] : memref<512x16xf32, #tpu.memory_space<vmem>>[vector<16xi32>, vector<16xi32>], vector<16xf32>,
      %gather3A_162 = tpu.vector_load_idx %arg14[%add3A_137, %and3A_159] : memref<512x16xf32, #tpu.memory_space<vmem>>[vector<16xi32>, vector<16xi32>], vector<16xf32>,
      %gather3A_163 = tpu.vector_load_idx %arg15[%add3A_137, %and3A_159] : memref<512x16xf32, #tpu.memory_space<vmem>>[vector<16xi32>, vector<16xi32>], vector<16xf32>,
      %gather3A_164 = tpu.vector_load_idx %arg16[%add3A_137, %and3A_159] : memref<512x16xf32, #tpu.memory_space<vmem>>[vector<16xi32>, vector<16xi32>], vector<16xf32>,
      %sub3A_165 = arith.subf %gather3A_148, %gather3A_160 : vector<16xf32>
      %sub3A_166 = arith.subf %gather3A_155, %gather3A_161 : vector<16xf32>
      %mul3A_167 = arith.mulf %sub3A_165, %sub3A_165 : vector<16xf32>
      %neg3A = arith.constant 0.000000e+00 : f32
      %neg3A_168 = vector.broadcast %neg3A : f32 to vector<16xf32>
      %neg3A_169 = arith.subf %neg3A_168, %gather3A_162 : vector<16xf32>
      %exp3A = math.exp %neg3A_169 : vector<16xf32>
      %mul3A_170 = arith.mulf %mul3A_167, %exp3A : vector<16xf32>
      %mul3A_171 = arith.mulf %sub3A_166, %sub3A_166 : vector<16xf32>
      %neg3A_172 = arith.constant 0.000000e+00 : f32
      %neg3A_173 = vector.broadcast %neg3A_172 : f32 to vector<16xf32>
      %neg3A_174 = arith.subf %neg3A_173, %gather3A_163 : vector<16xf32>
      %exp3A_175 = math.exp %neg3A_174 : vector<16xf32>
      %mul3A_176 = arith.mulf %mul3A_171, %exp3A_175 : vector<16xf32>
      %add3A_177 = arith.addf %mul3A_170, %mul3A_176 : vector<16xf32>
      %sub3A_178 = arith.subf %gather3A_164, %add3A_111 : vector<16xf32>
      %mul3A_179 = arith.constant 5.000000e-01 : f32
      %mul3A_180 = vector.broadcast %mul3A_179 : f32 to vector<16xf32>
      %mul3A_181 = arith.mulf %mul3A_180, %add3A_177 : vector<16xf32>
      %sub3A_182 = arith.subf %sub3A_178, %mul3A_181 : vector<16xf32>
      %add3A_183 = arith.addf %gather3A_162, %gather3A_163 : vector<16xf32>
      %mul3A_184 = arith.constant 5.000000e-01 : f32
      %mul3A_185 = vector.broadcast %mul3A_184 : f32 to vector<16xf32>
      %mul3A_186 = arith.mulf %mul3A_185, %add3A_183 : vector<16xf32>
      %sub3A_187 = arith.subf %sub3A_182, %mul3A_186 : vector<16xf32>
      %sub3A_188 = arith.constant 1.83787704 : f32
      %sub3A_189 = vector.broadcast %sub3A_188 : f32 to vector<16xf32>
      %sub3A_190 = arith.subf %sub3A_187, %sub3A_189 : vector<16xf32>
      tpu.vector_store_idx %arg17[%add3A_137], %sub3A_190 : memref<512xf32, #tpu.memory_space<vmem>>[vector<16xi32>], vector<16xf32>,
    }
    %scan3A_132 = arith.constant 32 : i32
    "tpu.region"() ({
      %run_scoped3A = tpu.sem_alloc : memref<!tpu.dma_semaphore, #tpu.memory_space<semaphore_mem>>
      %dma_start3A_133 = tpu.memref_slice %arg8[%mul3A_2] : memref<16384xf32, #tpu.memory_space<hbm>> -> memref<512xf32, #tpu.memory_space<hbm>>
      %dma_start3A_134 = tpu.memref_slice %arg8[%mul3A_2] : memref<16384xf32, #tpu.memory_space<hbm>> -> memref<512xf32, #tpu.memory_space<hbm>>
      tpu.enqueue_dma source(%arg17 : memref<512xf32, #tpu.memory_space<vmem>>) target(%dma_start3A_134 : memref<512xf32, #tpu.memory_space<hbm>>) target_semaphore(%run_scoped3A : memref<!tpu.dma_semaphore, #tpu.memory_space<semaphore_mem>>)
      %dma_wait3A_135 = tpu.memref_slice %arg8[%mul3A_2] : memref<16384xf32, #tpu.memory_space<hbm>> -> memref<512xf32, #tpu.memory_space<hbm>>
      %dma_wait3A_136 = tpu.memref_slice %arg8[%mul3A_2] : memref<16384xf32, #tpu.memory_space<hbm>> -> memref<512xf32, #tpu.memory_space<hbm>>
      tpu.wait_dma2 semaphore(%run_scoped3A : memref<!tpu.dma_semaphore, #tpu.memory_space<semaphore_mem>>) src(%arg17 : memref<512xf32, #tpu.memory_space<vmem>>) dst(%dma_wait3A_136 : memref<512xf32, #tpu.memory_space<hbm>>)
      tpu.yield
    }) : () -> ()
    return
  }
}

</mosaic_0001>

<sc_bundles>
// kernel: kernel.3.cloned.1.call-start
scs
__scs_entry_jumppad:
0x0: {  	(pc) =	sbr.rel $0x88, $3  }
0x1: {  	(tag) =	ssettag $0x0;
	lr =	simm.s32 $0x1  }
0x2: {  	[smem:$0x3F9D] =	sst lr;
	_ =	strace $0xD0000000  }
0x3: {  	_ = 	snop  }
0x4: {  	_ = 	snop  }
0x5: {  	_ = 	snop  }
0x6: {  	_ = 	snop  }
0x7: {  	_ = 	snop  }
__scs_overlays_trampoline_lowered:
0x8: {  	[smem:$0x3FAC] =	sst s0  }
0x9: {  	[smem:$0x3FAD] =	sst s1  }
0xa: {  	[smem:$0x3FAE] =	sst s2  }
0xb: {  	[smem:$0x3FAF] =	sst s3  }
0xc: {  	[smem:$0x3FB0] =	sst s4  }
0xd: {  	[smem:$0x3FB1] =	sst s5  }
0xe: {  	[smem:$0x3FB2] =	sst s6  }
0xf: {  	[smem:$0x3FB3] =	sst s7  }
0x10: {  	[smem:$0x3FB4] =	sst s8  }
0x11: {  	[smem:$0x3FB5] =	sst s9;
	s0 =	simm.s32 @!p0 $0x0  }
0x12: {  	s1 =	sld [smem:$0x3F9B];
	s0 =	simm.s32 @p0 $0x1  }
0x13: {  	[smem:$0x3FB6] =	sst s0;
	s0 =	simm.s32 @!p1 $0x0  }
0x14: {  	s2 =	sld [smem:$0x3F9A];
	s0 =	simm.s32 @p1 $0x1  }
0x15: {  	[smem:$0x3FB7] =	sst s0;
	s0 =	simm.s32 @!p2 $0x0  }
0x16: {  	s3 =	sld [smem:$0x3FDB];
	s0 =	simm.s32 @p2 $0x1  }
0x17: {  	s4 =	simm.s32 $0x1BF5;
	[smem:$0x3FB9] =	sst s0  }
0x18: {  	s0 =	sld [smem:$0x3F9C];
	_ =	swait.ge [sflag:s4], $0x0  }
0x19: {  	s7 =	sld [smem:$0x3F9D]  }
0x1a: {  	s8 =	sadd.s32 $0xFFFFE003, lr  }
0x1b: {  	s9 =	sadd.s32 $0xFFFFFEF7, lr;
	s5 =	simm.s32 $0xFFFFFFFF;
	p2 =	slt.u32 s8, $0xFFFFF086  }
0x1c: {  	p1 =	slt.u32 s9, $0xF7A;
	s5 =	simm.s32 @!p2 $0x0  }
0x1d: {  	s5 =	simm.s32 @p1 $0x1;
	p0 =	seq.s32 s7, s2  }
0x1e: {  	s7 =	smul.u32 @!p0 $0xF7A, s2;
	p2 =	seq.s32 @!p0 s5, $0x0  }
0x1f: {  	s9 =	smul.u32 $0xF7A, s1;
	s8 =	simm.s32 @!p0 $0x1BF5;
	p2 =	por !p2, p0  }
0x20: {  	[sflag:s8] =	ssyncset.s32 @!p0 $0xFFFFF086;
	s6 =	sadd.s32 @!p0 s3, s7;
	s7 =	simm.s32 @!p0 $0x108  }
0x21: {  	s3 =	sadd.s32 s3, s9;
	s6 =	sadd.s32 @!p0 $0x88, s6;
	s7 =	simm.s32 @p2 $0x1082  }
0x22: {  	[simem:s7], [sflag:s8] =	dma.local @!p0 [hbm:s6], $0xF7A  }
0x23: {  	s9 =	sor.u32 $0xD0000000, s2;
	s6 =	simm.s32 $0x108;
	_ =	swait.ge @!p0 [sflag:s8], $0x0  }
0x24: {  	s3 =	sadd.s32 $0x88, s3;
	s6 =	simm.s32 @!p1 $0x1082;
	[sflag:s4] =	ssyncset.s32 $0xFFFFF086  }
0x25: {  	[simem:s6], [sflag:s4] =	dma.local [hbm:s3], $0xF7A  }
0x26: {  	[smem:$0x3F9D] =	sst s1;
	(tag) =	ssettag s2;
	_ =	strace s9  }
0x27: {  	s1 =	sld [smem:$0x3FAD]  }
0x28: {  	s2 =	sld [smem:$0x3FAE]  }
0x29: {  	s4 =	sld [smem:$0x3FB0]  }
0x2a: {  	p0 =	seq.s32 s5, $0x0;
	s5 =	sld [smem:$0x3FB1]  }
0x2b: {  	s6 =	sld [smem:$0x3FB2]  }
0x2c: {  	s7 =	sld [smem:$0x3FB3]  }
0x2d: {  	s3 =	simm.s32 $0x108;
	s8 =	sld [smem:$0x3FB4]  }
0x2e: {  	s3 =	simm.s32 @!p0 $0x1082;
	s9 =	sld [smem:$0x3FB5]  }
0x2f: {  	lr =	sadd.s32 s0, s3;
	s0 =	sld [smem:$0x3FAC]  }
0x30: {  	s3 =	sld [smem:$0x3FAF]  }
0x31: {  	[smem:$0x3FB8] =	sst s10  }
0x32: {  	s10 =	sld [smem:$0x3FB6];
	_ =	sdelay $0x3  }
0x33: {  	p0 =	seq.s32 s10, $0x1;
	s10 =	sld [smem:$0x3FB8];
	_ =	sdelay $0x3  }
0x34: {  	[smem:$0x3FB8] =	sst s10  }
0x35: {  	s10 =	sld [smem:$0x3FB7];
	_ =	sdelay $0x3  }
0x36: {  	p1 =	seq.s32 s10, $0x1;
	s10 =	sld [smem:$0x3FB8];
	_ =	sdelay $0x3  }
0x37: {  	[smem:$0x3FB8] =	sst s10  }
0x38: {  	s10 =	sld [smem:$0x3FB9]  }
0x39: {  	_ = 	snop;
	(pc) =	sbr.ind lr, $3  }
0x3a: {  	_ = 	snop  }
0x3b: {  	_ = 	snop  }
0x3c: {  	p2 =	seq.s32 s10, $0x1;
	s10 =	sld [smem:$0x3FB8]  }
0x3d: {  	_ =	shalt  }
0x3e: {  	_ =	shalt  }
0x3f: {  	_ =	shalt  }
0x40: {  	_ =	shalt  }
0x41: {  	_ =	shalt  }
0x42: {  	_ =	shalt  }
0x43: {  	_ =	shalt  }
0x44: {  	_ =	shalt  }
0x45: {  	_ =	shalt  }
0x46: {  	_ =	shalt  }
0x47: {  	_ =	shalt  }
0x48: {  	_ =	shalt  }
0x49: {  	_ =	shalt  }
0x4a: {  	_ =	shalt  }
0x4b: {  	_ =	shalt  }
0x4c: {  	_ =	shalt  }
0x4d: {  	_ =	shalt  }
0x4e: {  	_ =	shalt  }
0x4f: {  	_ =	shalt  }
0x50: {  	_ =	shalt  }
0x51: {  	_ =	shalt  }
0x52: {  	_ =	shalt  }
0x53: {  	_ =	shalt  }
0x54: {  	_ =	shalt  }
0x55: {  	_ =	shalt  }
0x56: {  	_ =	shalt  }
0x57: {  	_ =	shalt  }
0x58: {  	_ =	shalt  }
0x59: {  	_ =	shalt  }
0x5a: {  	_ =	shalt  }
0x5b: {  	_ =	shalt  }
0x5c: {  	_ =	shalt  }
0x5d: {  	_ =	shalt  }
0x5e: {  	_ =	shalt  }
0x5f: {  	_ =	shalt  }
0x60: {  	_ =	shalt  }
0x61: {  	_ =	shalt  }
0x62: {  	_ =	shalt  }
0x63: {  	_ =	shalt  }
0x64: {  	_ =	shalt  }
0x65: {  	_ =	shalt  }
0x66: {  	_ =	shalt  }
0x67: {  	_ =	shalt  }
0x68: {  	_ =	shalt  }
0x69: {  	_ =	shalt  }
0x6a: {  	_ =	shalt  }
0x6b: {  	_ =	shalt  }
0x6c: {  	_ =	shalt  }
0x6d: {  	_ =	shalt  }
0x6e: {  	_ =	shalt  }
0x6f: {  	_ =	shalt  }
0x70: {  	_ =	shalt  }
0x71: {  	_ =	shalt  }
0x72: {  	_ =	shalt  }
0x73: {  	_ =	shalt  }
0x74: {  	_ =	shalt  }
0x75: {  	_ =	shalt  }
0x76: {  	_ =	shalt  }
0x77: {  	_ =	shalt  }
0x78: {  	_ =	shalt  }
0x79: {  	_ =	shalt  }
0x7a: {  	_ =	shalt  }
0x7b: {  	_ =	shalt  }
0x7c: {  	_ =	shalt  }
0x7d: {  	_ =	shalt  }
0x7e: {  	_ =	shalt  }
0x7f: {  	_ =	shalt  }
0x80: {  	_ =	shalt  }
0x81: {  	_ =	shalt  }
0x82: {  	_ =	shalt  }
0x83: {  	_ =	shalt  }
0x84: {  	_ =	shalt  }
0x85: {  	_ =	shalt  }
0x86: {  	_ =	shalt  }
0x87: {  	_ =	shalt  }
.Lfunc_end0:
.L_simem_size_0:
called_computation_lowered:
.L_overlay_start_0:
0x88: {  	s2 =	sld [smem:$0x3FD9]  }
0x89: {  	s3 =	sld [smem:$0x3FFE];
	_ =	sdelay $0x1  }
0x8a: {  	s1 =	srdreg.scid  }
0x8b: {  	s0 =	sand.u32 $0x1, s1  }
0x8c: {  	s17 =	sshll.u32 s0, $0xA;
	s2 =	sadd.s32 s3, s2  }
0x8d: {  	s2 =	sadd.s32 s2, s17  }
0x8e: {  	[smem:$0x3FC4] =	sst s2  }
0x8f: {  	_ = 	snop  }
0x90: {  	s2 =	sld [smem:$0x3FC8]  }
0x91: {  	s18 =	sld [smem:$0x3FD0];
	(tm) =	ssettm $0x1  }
0x92: {  	s4 =	sld [smem:$0x3FFB];
	_ =	sdelay $0x3  }
0x93: {  	_ =	strace s4  }
0x94: {  	s4 =	sld [smem:$0x3FFC];
	_ =	sdelay $0x3  }
0x95: {  	_ =	strace s4  }
0x96: {  	s4 =	sld [smem:$0x3FFD];
	_ =	sdelay $0x3  }
0x97: {  	_ =	strace s4  }
0x98: {  	_ =	strace $0x8FFFFFFF  }
0x99: {  	s19 =	sld [smem:$0x3FDB];
	_ =	sdelay $0x1  }
0x9a: {  	s5 =	simm.s32 $_scs_section_size  }
0x9b: {  	s6 =	simm.s32 $_size__tile_overlayer_lowered;
	s7 =	simm.s32 $_tile_overlayer_lowered  }
0x9c: {  	s22 =	simm.s32 $0x1BFF;
	s21 =	sshll.u32 s7, $0x1;
	s4 =	sadd.s32 s5, s19  }
0x9d: {  	s8 =	simm.s32 $0x0;
	s20 =	sshll.u32 s6, $0x1;
	s6 =	sadd.s32 s21, s4  }
0x9e: {  	[timem:s8], [sflag:s22] =	dma.local [hbm:s6], s20  }
0x9f: {  	_ =	swait.ge [sflag:s22], s20  }
0xa0: {  	s5 =	ssub.s32 $0x0, s20;
	[sflag:s22] =	ssyncset.done $0x0  }
0xa1: {  	[sflag:s22] =	ssyncadd.s32 s5;
	_ =	sdelay $0x1  }
0xa2: {  	s23 =	simm.s32 $0x1B8B  }
0xa3: {  	_ =	swait.ge [sflag:s23], $0x1  }
0xa4: {  	[sflag:s23] =	ssyncset.done $0x0  }
0xa5: {  	s25 =	simm.s32 $0x1B8E;
	s24 =	sld [smem:$0x3FFE];
	[sflag:s23] =	ssyncadd.s32 $0xFFFFFFFF  }
0xa6: {  	s26 =	simm.s32 $execute0_lowered;
	[smem:$0x3FD2] =	sst s25  }
0xa7: {  	s6 =	sshll.u32 s26, $0x1;
	_ =	strace $0x80000046;
	[dreg:$0x1] =	wrdreg $0xFFFFFFFF  }
0xa8: {  	s28 =	simm.s32 $_size_execute0_lowered;
	s4 =	sadd.s32 s4, s6;
	[dreg:$0x0] =	wrdreg $0x0  }
0xa9: {  	s6 =	sshll.u32 s28, $0x1;
	[dreg:$0x2] =	wrdreg s4  }
0xaa: {  	[dreg:$0x3] =	wrdreg s6  }
0xab: {  	[dreg:$0x4] =	wrdreg $0xC0  }
0xac: {  	_ =	task [dreg:s8], $0x5FFFF  }
0xad: {  	[dreg:$0x1] =	wrdreg $0xFFFFFFFF  }
0xae: {  	[dreg:$0x0] =	wrdreg $0x60  }
0xaf: {  	[dreg:$0x2] =	wrdreg s24  }
0xb0: {  	[dreg:$0x3] =	wrdreg s2  }
0xb1: {  	[dreg:$0x4] =	wrdreg s18  }
0xb2: {  	[dreg:$0x5] =	wrdreg $0xC4100  }
0xb3: {  	[dreg:$0x6] =	wrdreg $0x9  }
0xb4: {  	_ =	task.clear_ibuf [dreg:s8], $0x7FFFF;
	_ =	strace $0x90000046  }
0xb5: {  	s29 =	simm.s32 $0x9;
	_ =	strace $0x80000048  }
0xb6: {  	_ =	swait.ge [sflag:s29], $0x1  }
0xb7: {  	[sflag:s29] =	ssyncadd.s32 $0xFFFFFFFF  }
0xb8: {  	_ =	strace $0x90000048  }
0xb9: {  	_ =	sfence  }
0xba: {  	s30 =	sld [smem:$0x0];
	_ =	sdelay $0x2  }
0xbb: {  	s31 =	sshll.u32 s1, $0xD;
	s1 =	sshrl.u32 s1, $0x2  }
0xbc: {  	s3 =	sand.u32 $0x4000, s31;
	s1 =	sadd.s32 s1, s30  }
0xbd: {  	s0 =	sor.u32 s3, s0;
	s1 =	sshll.u32 s1, $0x11  }
0xbe: {  	s0 =	sor.u32 s1, s0  }
0xbf: {  	s0 =	sadd.s32 $0x8F2B, s0  }
0xc0: {  	[sflag:s0] =	ssyncadd.remote.s32 $0x1  }
0xc1: {  	_ =	sfence.sel $0xFFFF  }
0xc2: {  	[dreg:$0x0] =	wrdreg $0xFFFFFFFF;
	(pc) =	sbr.abs _section_cstart, $3  }
0xc3: {  	[dreg:$0x1] =	wrdreg $0xFFFFFFFF  }
0xc4: {  	_ =	task.clear_ibuf [dreg:s8], $0x2FFFF;
	_ =	strace $0x9FFFFFFF  }
0xc5: {  	(tm) =	ssettm $0x7FFFFFFF  }
tec
execute0_lowered:
.L_overlay_start_1:
0x0: {  	(tag) =	ssettag $0x1  }
0x1: {  	s0 =	rddreg [dreg:$0x0]  }
0x2: {  	s4 =	rddreg [dreg:$0x1]  }
0x3: {  	s1 =	rddreg [dreg:$0x2]  }
0x4: {  	s15 =	rddreg [dreg:$0x3];
	s3 =	simm.s32 $0x0  }
0x5: {  	s25 =	srdreg.scid;
	s12 =	stileid.u32;
	s18 =	simm.s32 $0x2  }
0x6: {  	s19 =	simm.s32 $0x1F00;
	s20 =	simm.s32 $0x200;
	s21 =	simm.s32 $0xA100  }
0x7: {  	s22 =	simm.s32 $0x2100;
	s23 =	simm.s32 $0x4100;
	s24 =	simm.s32 $0x6100  }
0x8: {  	s28 =	simm.s32 $0xC300;
	s29 =	simm.s32 $0x4;
	s30 =	simm.s32 $0xC310  }
0x9: {  	s31 =	simm.s32 $0x3;
	[smem:$0x7FF] =	sst s3;
	s2 =	sadd.s32 $0x4A00, s0  }
0xa: {  	s5 =	sadd.s32 $0x1800, s0;
	s7 =	sadd.s32 $0xAE00, s0;
	s8 =	sadd.s32 $0x7C00, s0  }
0xb: {  	s10 =	smul.u32 $0x30C, s12;
	p0 =	seq.s32 s12, $0xF;
	s13 =	sshll.u32 s12, $0x4  }
0xc: {  	_ =	strace $0x80000047;
	[dreg:$0x5] =	wrdreg s2;
	s2 =	sand.u32 $0x1, s25  }
0xd: {  	s13 =	sadd.s32 s13, s15;
	s15 =	sadd.s32 $0x100, s15;
	s25 =	simm.s32 $0x8100  }
0xe: {  	s6 =	ssub.s32 $0x2, s2;
	s2 =	sshll.u32 s2, $0x4;
	s14 =	sadd.s32 $0x100, s13  }
0xf: {  	s9 =	sshrl.u32 s6, $0x1;
	s2 =	sor.u32 s12, s2;
	s12 =	simm.s32 $0x190  }
0x10: {  	s6 =	ssub.s32 s6, s9;
	s11 =	smul.u32 $0xC0, s2;
	s9 =	sadd.s32 s4, s10  }
0x11: {  	s10 =	sadd.s32 $0x2DB4, s4;
	s12 =	simm.s32 @!p0 $0x186;
	s26 =	sshll.u32 s2, $0x6  }
0x12: {  	v0 =	vlaneseq.u32;
	s16 =	sadd.s32 s1, s26;
	s17 =	smax.u32 s6, $0x1;
	s26 =	simm.s32 $0x600  }
0x13: {  	v1 =	vor.u32 $0xFFFFFFF8, v0;
	v2 =	vmul.u32 $0x10, v0;
	s6 =	simm.s32 $0x0;
	s11 =	sadd.s32 s0, s11;
	s0 =	simm.s32 $0xC100  }
.LBB2_1:
0x14: {  	s1 =	simm.s32 @p0 $0x0;
	s2 =	simm.s32 @p0 $0x600  }
0x15: {  	[tilespmem:s2], [sflag:$0x1] =	stream.linear.gather @p0 [hbm4b:s10+s1], $0x1900, $0x38;
	[tilespmem:$0xC430] =	vst v63  }
0x16: {  	s1 =	simm.s32 @p0 $0x1  }
0x17: {  	_ =	swait.ge @p0 [sflag:s1], $0x1900  }
0x18: {  	[sflag:s1] =	ssyncset.done @p0 $0x0  }
0x19: {  	s2 =	simm.s32 @!p0 $0x600;
	[sflag:s1] =	ssyncadd.s32 @p0 $0xFFFFE700;
	s1 =	simm.s32 @!p0 $0x0  }
0x1a: {  	[tilespmem:s2], [sflag:$0x1] =	stream.linear.gather @!p0 [hbm4b:s9+s1], $0x1860, $0x38;
	[tilespmem:$0xC430] =	vst v63  }
0x1b: {  	s1 =	simm.s32 @!p0 $0x1  }
0x1c: {  	v3 =	vor.u32 s3, v0;
	_ =	swait.ge @!p0 [sflag:s1], $0x1860  }
0x1d: {  	v4 =	vmul.u32 $0x3, v3;
	[sflag:s1] =	ssyncset.done @!p0 $0x0  }
0x1e: {  	[sflag:s1] =	ssyncadd.s32 @!p0 $0xFFFFE7A0  }
0x1f: {  	[tilespmem:s3], [sflag:$0x2] =	stream.linear.gather [hbm4b:s11+s3], $0x600, $0x38;
	[tilespmem:$0xC430] =	vst v63  }
0x20: {  	_ =	swait.ge [sflag:s18], $0x600  }
0x21: {  	[sflag:s18] =	ssyncset.done $0x0  }
0x22: {  	[sflag:s18] =	ssyncadd.s32 $0xFFFFFA00  }
0x23: {  	v4 =	vld.idx.msk [tilespmem:v4+s3+$0x0], $0xffff;
	_ =	sdelay $0x1  }
0x24: {  	s4 =	simm.s32 $0x10  }
0x25: {  	v5 =	vor.u32 s4, v0;
	s1 =	simm.s32 $0x20  }
.LBB2_2:
0x26: {  	p1 =	sne.s32 s1, $0x1F0;
	v6 =	vmul.u32 $0x3, v5;
	v7 =	vand.u32 v1, v3;
	v3 =	vmov v5  }
0x27: {  	v4 =	vtrunc.f32 v4  }
0x28: {  	v4 =	vcvt.f32.s32 v4;
	_ =	sdelay $0x1  }
0x29: {  	v4 =	vshrl.u32 v4, $0x4  }
0x2a: {  	[tilespmem:v7+s19+$0x0] =	vst.idx.msk $0xffff, v4  }
.Ltmp0:
0x2b: {  	v4 =	vld.idx.msk [tilespmem:v6+s3+$0x0], $0xffff;
	(pc) =	sbr.rel @p1 .LBB2_2-.Ltmp0, $2  }
0x2c: {  	_ =	sdelay $0x2  }
0x2d: {  	v5 =	vor.u32 s1, v0;
	s1 =	sadd.s32 $0x10, s1  }
0x2e: {  	v6 =	vmul.u32 $0x3, v5;
	v3 =	vand.u32 v1, v3  }
0x2f: {  	v4 =	vtrunc.f32 v4  }
0x30: {  	v4 =	vcvt.f32.s32 v4;
	_ =	sdelay $0x1  }
0x31: {  	v4 =	vshrl.u32 v4, $0x4  }
0x32: {  	[tilespmem:v3+s19+$0x0] =	vst.idx.msk $0xffff, v4  }
0x33: {  	v3 =	vld.idx.msk [tilespmem:v6+s3+$0x0], $0xffff;
	_ =	sdelay $0x3  }
0x34: {  	v4 =	vand.u32 v1, v5  }
0x35: {  	v3 =	vtrunc.f32 v3  }
0x36: {  	v3 =	vcvt.f32.s32 v3;
	_ =	sdelay $0x1  }
0x37: {  	v3 =	vshrl.u32 v3, $0x4  }
0x38: {  	s1 =	rddreg [dreg:$0x1];
	[tilespmem:v4+s19+$0x0] =	vst.idx.msk $0xffff, v3  }
0x39: {  	[tilespmem:s21], [sflag:$0x3] =	stream.indirect.gather [hbm4b:s1+s20], $0x10, s19, s20, $0xb8;
	[tilespmem:$0xC430] =	vst v63  }
0x3a: {  	s4 =	rddreg [dreg:$0x5]  }
0x3b: {  	[tilespmem:s22], [sflag:$0x3] =	stream.indirect.gather [hbm4b:s4+s20], $0x10, s19, s20, $0xb8;
	[tilespmem:$0xC430] =	vst v63  }
0x3c: {  	p2 =	sne.s32 s12, $0x1  }
0x3d: {  	[tilespmem:s23], [sflag:$0x3] =	stream.indirect.gather [hbm4b:s5+s20], $0x10, s19, s20, $0xb8;
	[tilespmem:$0xC430] =	vst v63  }
.Ltmp1:
0x3e: {  	_ = 	snop;
	(pc) =	sbr.rel @!p2 .LBB2_9-.Ltmp1, $4  }
0x3f: {  	p3 =	por $0x0, $0x0  }
0x40: {  	[tilespmem:s24], [sflag:$0x3] =	stream.indirect.gather [hbm4b:s7+s20], $0x10, s19, s20, $0xb8;
	[tilespmem:$0xC430] =	vst v63  }
0x41: {  	p1 =	por $0x0, $0x0;
	p4 =	por $0x0, $0x0;
	s1 =	simm.s32 $0x0  }
0x42: {  	v6 =	vimm.f32 $-Inf;
	v3 =	vimm.f32 $-Inf;
	[tilespmem:s25], [sflag:$0x3] =	stream.indirect.gather [hbm4b:s8+s20], $0x10, s19, s20, $0xb8;
	[tilespmem:$0xC430] =	vst v63  }
0x43: {  	p4 =	sne.s32 s12, $0x2  }
.Ltmp2:
0x44: {  	_ = 	snop;
	(pc) =	sbr.rel @!p4 .LBB2_5-.Ltmp2, $3  }
0x45: {  	_ =	sdelay $0x1  }
0x46: {  	s2 =	simm.s32 $0x0  }
0x47: {  	s1 =	simm.s32 $0x2;
	p3 =	por $0x1, $0x1;
	v4 =	vor.u32 s2, v0  }
0x48: {  	p5 =	sne.s32 s12, $0x3  }
.Ltmp3:
0x49: {  	_ = 	snop;
	(pc) =	sbr.rel @!p5 .LBB2_7-.Ltmp3, $3  }
0x4a: {  	_ =	sdelay $0x1  }
0x4b: {  	s4 =	simm.s32 $0x10  }
0x4c: {  	v5 =	vld.idx.msk [tilespmem:v4+s26+$0x0], $0xffff;
	s2 =	simm.s32 $0x3;
	p4 =	por $0x1, $0x1;
	v6 =	vimm.f32 $-Inf;
	v4 =	vor.u32 s4, v0  }
.LBB2_8:
0x4d: {  	s4 =	sshll.u32 s1, $0x4;
	s1 =	smov.u32 s2;
	s2 =	sadd.s32 $0x1, s2  }
0x4e: {  	p5 =	sne.s32 s12, s2  }
.Ltmp4:
0x4f: {  	_ = 	snop;
	(pc) =	sbr.rel @p5 .LBB2_8-.Ltmp4, $3  }
0x50: {  	_ =	sdelay $0x1  }
0x51: {  	v6 =	vmax.f32 v6, v5;
	v5 =	vld.idx.msk [tilespmem:v4+s26+$0x0], $0xffff  }
0x52: {  	v4 =	vor.u32 s4, v0  }
.LBB2_9:
0x53: {  	_ = 	snop  }
0x54: {  	s1 =	sshll.u32 s1, $0x4  }
0x55: {  	v7 =	vor.u32 s1, v0;
	_ =	sdelay $0x1  }
0x56: {  	v4 =	vld.idx.msk @p3 [tilespmem:v4+s26+$0x0], $0xffff;
	_ =	sdelay $0x2  }
0x57: {  	v7 =	vld.idx.msk [tilespmem:v7+s26+$0x0], $0xffff  }
0x58: {  	v5 =	vmax.f32 @p4 v6, v5  }
0x59: {  	v5 =	vpsel p4, v5, v3;
	v4 =	vpsel p3, v4, v0  }
0x5a: {  	v4 =	vmax.f32 @p3 v5, v4  }
0x5b: {  	v3 =	vpsel p3, v4, v3  }
0x5c: {  	v3 =	vmax.f32 v3, v7  }
0x5d: {  	(xrf0) =	vmax.scan.msk.f32 $0xffff, v3;
	_ =	sdelay $0x5  }
0x5e: {  	v3, _, _ =	vpop (xrf0)  }
0x5f: {  	v3 =	vbroadcast v3, $0xF;
	_ =	sdelay $0x1  }
0x60: {  	[tilespmem:$0xC300] =	vst v3  }
0x61: {  	[spmem:s13] =	stream.linear.scatter [tilespmem:s28], [sflag:$0x4], $0x10, $0x38;
	[tilespmem:$0xC430] =	vst v63  }
0x62: {  	_ =	swait.ge [sflag:s29], $0x10  }
0x63: {  	[sflag:s29] =	ssyncset.done $0x0  }
0x64: {  	[sflag:s29] =	ssyncadd.s32 $0xFFFFFFF0  }
0x65: {  	[bflag:$0x0] =	sbarrier.arrive $0xFFFF  }
0x66: {  	s2 =	rddreg [dreg:$0x3]  }
0x67: {  	[tilespmem:s30], [sflag:$0x4] =	stream.linear.gather [spmem:s2], $0x100, $0x38;
	[tilespmem:$0xC430] =	vst v63  }
0x68: {  	_ =	swait.ge [sflag:s29], $0x100  }
0x69: {  	[sflag:s29] =	ssyncset.done $0x0  }
0x6a: {  	[sflag:s29] =	ssyncadd.s32 $0xFFFFFF00  }
0x6b: {  	v3 =	vld.idx.msk [tilespmem:v2+s30+$0x0], $0xffff;
	_ =	sdelay $0x4  }
0x6c: {  	(xrf0) =	vmax.scan.msk.f32 $0xffff, v3;
	_ =	sdelay $0x2  }
.Ltmp5:
0x6d: {  	_ = 	snop;
	(pc) =	sbr.rel @!p2 .LBB2_10-.Ltmp5, $3  }
0x6e: {  	_ =	sdelay $0x1  }
0x6f: {  	s4 =	simm.s32 $0x0;
	v3, _, _ =	vpop (xrf0)  }
0x70: {  	v5 =	vor.u32 s4, v0;
	v4 =	vimm.f32 $0.0e+00;
	v3 =	vbroadcast v3, $0xF  }
0x71: {  	p3 =	sne.s32 s12, $0x2  }
.Ltmp6:
0x72: {  	_ = 	snop;
	(pc) =	sbr.rel @!p3 .LBB2_12-.Ltmp6, $3  }
0x73: {  	_ =	sdelay $0x1  }
0x74: {  	s1 =	simm.s32 $0x10  }
0x75: {  	v8 =	vld.idx.msk [tilespmem:v5+s26+$0x0], $0xffff;
	p2 =	por $0x1, $0x1;
	v5 =	vor.u32 s1, v0  }
0x76: {  	p4 =	sne.s32 s12, $0x3  }
.Ltmp7:
0x77: {  	_ = 	snop;
	(pc) =	sbr.rel @!p4 .LBB2_14-.Ltmp7, $3  }
0x78: {  	_ =	sdelay $0x1  }
0x79: {  	s1 =	simm.s32 $0x20  }
0x7a: {  	v6 =	vld.idx.msk [tilespmem:v5+s26+$0x0], $0xffff;
	p3 =	por $0x1, $0x1;
	v5 =	vor.u32 s1, v0;
	v9 =	vsub.f32 v8, v3  }
0x7b: {  	p5 =	sne.s32 s12, $0x4  }
.Ltmp8:
0x7c: {  	_ = 	snop;
	(pc) =	sbr.rel @!p5 .LBB2_16-.Ltmp8, $4  }
0x7d: {  	_ = 	snop  }
0x7e: {  	v7 =	vmul.f32 $1.442695020e+00, v9  }
0x7f: {  	s1 =	simm.s32 $0x30  }
0x80: {  	v11 =	vld.idx.msk [tilespmem:v5+s26+$0x0], $0xffff;
	p4 =	por $0x1, $0x1;
	v5 =	vor.u32 s1, v0;
	(erf) = vpow2.f32 v7;
	v8 =	vsub.f32 v6, v3  }
0x81: {  	_ =	sdelay $0x2  }
0x82: {  	p5 =	sne.s32 s12, $0x5  }
.Ltmp9:
0x83: {  	v6 =	vmul.f32 $1.442695020e+00, v8;
	(pc) =	sbr.rel @!p5 .LBB2_18-.Ltmp9, $4  }
0x84: {  	_ = 	snop  }
0x85: {  	(erf) = vpow2.f32 v6  }
0x86: {  	s2 =	simm.s32 $0x40  }
0x87: {  	s1 =	simm.s32 $0x5;
	p1 =	por $0x1, $0x1;
	v7 =	vimm.f32 $0.0e+00;
	v6 =	vld.idx.msk [tilespmem:v5+s26+$0x0], $0xffff;
	v5 =	vor.u32 s2, v0;
	v9 =	vsub.f32 v11, v3;
	v10 =	vpop (erf)  }
.LBB2_19:
0x88: {  	s2 =	smov.u32 s1;
	s1 =	sadd.s32 $0x1, s1  }
0x89: {  	v9 =	vmul.f32 $1.442695020e+00, v9;
	v7 =	vadd.f32 v10, v7;
	p5 =	sne.s32 s12, s1  }
.Ltmp10:
0x8a: {  	(pc) =	sbr.rel @p5 .LBB2_19-.Ltmp10, $3  }
0x8b: {  	(erf) = vpow2.f32 v9;
	_ =	sdelay $0x1  }
0x8c: {  	s2 =	sshll.u32 s2, $0x4;
	v9 =	vsub.f32 v6, v3;
	v6 =	vld.idx.msk [tilespmem:v5+s26+$0x0], $0xffff  }
0x8d: {  	v5 =	vor.u32 s2, v0;
	v10 =	vpop (erf)  }
0x8e: {  	_ = 	snop  }
.LBB2_21:
0x8f: {  	_ =	sdelay $0x2  }
0x90: {  	v9 =	vmul.f32 @p3 $1.442695020e+00, v9  }
0x91: {  	v5 =	vld.idx.msk [tilespmem:v5+s26+$0x0], $0xffff;
	v6 =	vsub.f32 @p2 v6, v3  }
0x92: {  	(erf) = vpow2.f32 @p3 v9  }
0x93: {  	v6 =	vpsel p2, v6, v8  }
0x94: {  	v6 =	vmul.f32 @p2 $1.442695020e+00, v6;
	_ =	sdelay $0x1  }
0x95: {  	v5 =	vsub.f32 v5, v3;
	(erf) = vpow2.f32 @p2 v6;
	v6 =	vadd.f32 @p1 v10, v7;
	_ =	sdelay $0x1  }
0x96: {  	v5 =	vmul.f32 $1.442695020e+00, v5;
	v6 =	vpsel p1, v6, v4  }
0x97: {  	v7 =	vpop @p4 (erf)  }
0x98: {  	v7 =	vpsel p4, v7, v0;
	(erf) = vpow2.f32 v5  }
0x99: {  	v5 =	vadd.f32 @p4 v7, v6;
	v6 =	vpop @p3 (erf)  }
0x9a: {  	v6 =	vpsel p3, v6, v0  }
0x9b: {  	v5 =	vpsel p4, v5, v4  }
0x9c: {  	v5 =	vadd.f32 @p3 v6, v5  }
0x9d: {  	v6 =	vpop @p2 (erf)  }
0x9e: {  	v5 =	vpsel p3, v5, v4;
	v6 =	vpsel p2, v6, v0  }
0x9f: {  	v5 =	vadd.f32 @p2 v6, v5;
	_ =	sdelay $0x1  }
0xa0: {  	v6 =	vpop (erf);
	v4 =	vpsel p2, v5, v4  }
0xa1: {  	v4 =	vadd.f32 v6, v4;
	_ =	sdelay $0x1  }
0xa2: {  	(xrf2) =	vadd.scan.msk.f32 $0xffff, v4;
	_ =	sdelay $0x9  }
0xa3: {  	v4, _, _ =	vpop (xrf2)  }
0xa4: {  	v4 =	vbroadcast v4, $0xF;
	_ =	sdelay $0x1  }
0xa5: {  	[tilespmem:$0xC300] =	vst v4  }
0xa6: {  	[spmem:s14] =	stream.linear.scatter [tilespmem:s28], [sflag:$0x4], $0x10, $0x38;
	[tilespmem:$0xC430] =	vst v63  }
0xa7: {  	_ =	swait.ge [sflag:s29], $0x10  }
0xa8: {  	[sflag:s29] =	ssyncset.done $0x0  }
0xa9: {  	[sflag:s29] =	ssyncadd.s32 $0xFFFFFFF0  }
0xaa: {  	[bflag:$0x0] =	sbarrier.arrive $0xFFFF  }
0xab: {  	[tilespmem:s30], [sflag:$0x4] =	stream.linear.gather [spmem:s15], $0x100, $0x38;
	[tilespmem:$0xC430] =	vst v63  }
0xac: {  	_ =	swait.ge [sflag:s29], $0x100  }
0xad: {  	[sflag:s29] =	ssyncset.done $0x0  }
0xae: {  	[sflag:s29] =	ssyncadd.s32 $0xFFFFFF00  }
0xaf: {  	v4 =	vld.idx.msk [tilespmem:v2+s30+$0x0], $0xffff;
	_ =	sdelay $0x4  }
0xb0: {  	(xrf2) =	vadd.scan.msk.f32 $0xffff, v4;
	_ =	sdelay $0x9  }
0xb1: {  	v4, _, _ =	vpop (xrf2)  }
0xb2: {  	v4 =	vbroadcast v4, $0xF;
	_ =	sdelay $0x1  }
0xb3: {  	v5 =	vshrl.u32 v4, $0x17  }
0xb4: {  	v5 =	vand.u32 $0xFF, v5  }
0xb5: {  	v5 =	vcvt.s32.f32 v5;
	_ =	sdelay $0x1  }
0xb6: {  	v5 =	vadd.f32 $-1.265000000e+02, v5;
	_ =	sdelay $0x1  }
0xb7: {  	v5 =	vmul.f32 $6.931471820e-01, v5;
	_ =	sdelay $0x1  }
0xb8: {  	v6 =	vsub.f32 $0.0e+00, v5;
	_ =	sdelay $0x1  }
0xb9: {  	v6 =	vmul.f32 $1.442695020e+00, v6;
	_ =	sdelay $0x1  }
0xba: {  	(erf) = vpow2.f32 v6;
	_ =	sdelay $0x8  }
0xbb: {  	v6 =	vpop (erf)  }
0xbc: {  	v6 =	vmul.f32 v6, v4;
	_ =	sdelay $0x1  }
0xbd: {  	v5 =	vadd.f32 v6, v5;
	_ =	sdelay $0x1  }
0xbe: {  	v5 =	vadd.f32 $-1.000000000e+00, v5;
	_ =	sdelay $0x1  }
0xbf: {  	v6 =	vsub.f32 $0.0e+00, v5;
	_ =	sdelay $0x1  }
0xc0: {  	v6 =	vmul.f32 $1.442695020e+00, v6;
	_ =	sdelay $0x1  }
0xc1: {  	(erf) = vpow2.f32 v6;
	_ =	sdelay $0x8  }
0xc2: {  	v6 =	vpop (erf)  }
0xc3: {  	v6 =	vmul.f32 v6, v4;
	_ =	sdelay $0x1  }
0xc4: {  	v5 =	vadd.f32 v6, v5;
	_ =	sdelay $0x1  }
0xc5: {  	v5 =	vadd.f32 $-1.000000000e+00, v5;
	_ =	sdelay $0x1  }
0xc6: {  	v6 =	vsub.f32 $0.0e+00, v5;
	_ =	sdelay $0x1  }
0xc7: {  	v6 =	vmul.f32 $1.442695020e+00, v6;
	_ =	sdelay $0x1  }
0xc8: {  	(erf) = vpow2.f32 v6;
	_ =	sdelay $0x8  }
0xc9: {  	v6 =	vpop (erf)  }
0xca: {  	v6 =	vmul.f32 v6, v4;
	_ =	sdelay $0x1  }
0xcb: {  	v5 =	vadd.f32 v6, v5;
	_ =	sdelay $0x1  }
0xcc: {  	v5 =	vadd.f32 $-1.000000000e+00, v5;
	_ =	sdelay $0x1  }
0xcd: {  	v6 =	vsub.f32 $0.0e+00, v5;
	_ =	sdelay $0x1  }
0xce: {  	v6 =	vmul.f32 $1.442695020e+00, v6;
	_ =	sdelay $0x1  }
0xcf: {  	(erf) = vpow2.f32 v6;
	_ =	sdelay $0x8  }
0xd0: {  	v6 =	vpop (erf)  }
0xd1: {  	v6 =	vmul.f32 v6, v4;
	_ =	sdelay $0x1  }
0xd2: {  	v5 =	vadd.f32 v6, v5;
	_ =	sdelay $0x1  }
0xd3: {  	v5 =	vadd.f32 $-1.000000000e+00, v5;
	_ =	sdelay $0x1  }
0xd4: {  	v6 =	vsub.f32 $0.0e+00, v5;
	_ =	sdelay $0x1  }
0xd5: {  	v6 =	vmul.f32 $1.442695020e+00, v6;
	_ =	sdelay $0x1  }
0xd6: {  	(erf) = vpow2.f32 v6;
	_ =	sdelay $0x8  }
0xd7: {  	v6 =	vpop (erf)  }
0xd8: {  	v6 =	vmul.f32 v6, v4;
	_ =	sdelay $0x1  }
0xd9: {  	v5 =	vadd.f32 v6, v5;
	_ =	sdelay $0x1  }
0xda: {  	v5 =	vadd.f32 $-1.000000000e+00, v5;
	_ =	sdelay $0x1  }
0xdb: {  	v6 =	vsub.f32 $0.0e+00, v5;
	_ =	sdelay $0x1  }
0xdc: {  	v6 =	vmul.f32 $1.442695020e+00, v6;
	_ =	sdelay $0x1  }
0xdd: {  	(erf) = vpow2.f32 v6;
	_ =	sdelay $0x8  }
0xde: {  	v6 =	vpop (erf)  }
0xdf: {  	_ =	swait.ge [sflag:s31], $0x2000  }
0xe0: {  	[sflag:s31] =	ssyncset.done $0x0  }
0xe1: {  	[sflag:s31] =	ssyncadd.s32 $0xFFFFE000  }
0xe2: {  	_ =	swait.ge [sflag:s31], $0x2000  }
0xe3: {  	[sflag:s31] =	ssyncset.done $0x0  }
0xe4: {  	[sflag:s31] =	ssyncadd.s32 $0xFFFFE000  }
0xe5: {  	_ =	swait.ge [sflag:s31], $0x2000  }
0xe6: {  	s1 =	simm.s32 $0x0;
	[sflag:s31] =	ssyncset.done $0x0  }
0xe7: {  	v7 =	vor.u32 s1, v0;
	[sflag:s31] =	ssyncadd.s32 $0xFFFFE000  }
0xe8: {  	v8 =	vmul.u32 $0x3, v7;
	_ =	swait.ge [sflag:s31], $0x2000  }
0xe9: {  	[sflag:s31] =	ssyncset.done $0x0  }
0xea: {  	[sflag:s31] =	ssyncadd.s32 $0xFFFFE000  }
0xeb: {  	_ =	swait.ge [sflag:s31], $0x2000  }
0xec: {  	[sflag:s31] =	ssyncset.done $0x0  }
0xed: {  	[sflag:s31] =	ssyncadd.s32 $0xFFFFE000  }
0xee: {  	v9 =	vld.idx.msk [tilespmem:v8+s3+$0x0], $0xffff;
	_ =	sdelay $0x4  }
0xef: {  	v9 =	vtrunc.f32 v9  }
0xf0: {  	v9 =	vcvt.f32.s32 v9;
	_ =	sdelay $0x1  }
0xf1: {  	v10 =	vshll.u32 v7, $0x4;
	v9 =	vand.u32 $0xF, v9  }
0xf2: {  	v9 =	vor.u32 v10, v9;
	_ =	sdelay $0x4  }
0xf3: {  	v10 =	vld.idx.msk [tilespmem:v9+s24+$0x0], $0xffff  }
0xf4: {  	v11 =	vld.idx.msk [tilespmem:v9+s25+$0x0], $0xffff;
	_ =	sdelay $0x1  }
0xf5: {  	v12 =	vadd.s32 $0x1, v8;
	v8 =	vadd.s32 $0x2, v8;
	_ =	sdelay $0x1  }
0xf6: {  	v13 =	vsub.f32 $0.0e+00, v10  }
0xf7: {  	v14 =	vsub.f32 $0.0e+00, v11  }
0xf8: {  	v13 =	vmul.f32 $1.442695020e+00, v13  }
0xf9: {  	v8 =	vld.idx.msk [tilespmem:v8+s3+$0x0], $0xffff;
	v14 =	vmul.f32 $1.442695020e+00, v14  }
0xfa: {  	v62 =	vld.idx.msk [tilespmem:v9+s23+$0x0], $0xffff;
	(erf) = vpow2.f32 v13  }
0xfb: {  	v12 =	vld.idx.msk [tilespmem:v12+s3+$0x0], $0xffff;
	(erf) = vpow2.f32 v14  }
0xfc: {  	v61 =	vld.idx.msk [tilespmem:v9+s22+$0x0], $0xffff;
	_ =	sdelay $0x2  }
0xfd: {  	v8 =	vsub.f32 v8, v62;
	_ =	sdelay $0x1  }
0xfe: {  	v4 =	vmul.f32 v6, v4;
	v6 =	vsub.f32 v12, v61;
	_ =	sdelay $0x1  }
0xff: {  	v4 =	vadd.f32 v4, v5;
	v5 =	vmul.f32 v6, v6;
	v6 =	vmul.f32 v8, v8;
	v8 =	vpop (erf)  }
0x100: {  	v9 =	vld.idx.msk [tilespmem:v9+s21+$0x0], $0xffff;
	v63 =	vpop (erf)  }
0x101: {  	v4 =	vadd.f32 $-1.000000000e+00, v4;
	v5 =	vmul.f32 v8, v5;
	v6 =	vmul.f32 v63, v6;
	_ =	sdelay $0x1  }
0x102: {  	v3 =	vadd.f32 v4, v3;
	v4 =	vadd.f32 v6, v5;
	_ =	sdelay $0x1  }
0x103: {  	v8 =	vadd.f32 v11, v10;
	v5 =	vsub.f32 v9, v3;
	v6 =	vmul.f32 $5.000000000e-01, v4  }
0x104: {  	s4 =	simm.s32 $0x10  }
0x105: {  	v8 =	vmul.f32 $5.000000000e-01, v8;
	v4 =	vor.u32 s4, v0;
	v6 =	vsub.f32 v5, v6  }
0x106: {  	s1 =	simm.s32 $0x20;
	v7 =	vand.u32 v1, v7;
	v5 =	vmul.u32 $0x3, v4  }
.LBB2_22:
0x107: {  	p1 =	sne.s32 s1, $0x1F0;
	v6 =	vsub.f32 v6, v8;
	_ =	sdelay $0x1  }
0x108: {  	v6 =	vadd.f32 $-1.837877040e+00, v6;
	_ =	sdelay $0x1  }
0x109: {  	[tilespmem:v7+s0+$0x0] =	vst.idx.msk $0xffff, v6  }
0x10a: {  	v6 =	vld.idx.msk [tilespmem:v5+s3+$0x0], $0xffff;
	_ =	sdelay $0x5  }
0x10b: {  	v6 =	vtrunc.f32 v6  }
0x10c: {  	v6 =	vcvt.f32.s32 v6;
	_ =	sdelay $0x1  }
0x10d: {  	v7 =	vshll.u32 v4, $0x4;
	v6 =	vand.u32 $0xF, v6  }
0x10e: {  	v6 =	vor.u32 v7, v6;
	_ =	sdelay $0x4  }
0x10f: {  	v7 =	vld.idx.msk [tilespmem:v6+s24+$0x0], $0xffff  }
0x110: {  	v8 =	vld.idx.msk [tilespmem:v6+s25+$0x0], $0xffff;
	_ =	sdelay $0x1  }
0x111: {  	v9 =	vadd.s32 $0x1, v5  }
0x112: {  	v5 =	vadd.s32 $0x2, v5;
	_ =	sdelay $0x1  }
0x113: {  	v10 =	vsub.f32 $0.0e+00, v7  }
0x114: {  	v11 =	vsub.f32 $0.0e+00, v8  }
0x115: {  	v10 =	vmul.f32 $1.442695020e+00, v10;
	v9 =	vld.idx.msk [tilespmem:v9+s3+$0x0], $0xffff  }
0x116: {  	v11 =	vmul.f32 $1.442695020e+00, v11;
	v5 =	vld.idx.msk [tilespmem:v5+s3+$0x0], $0xffff  }
0x117: {  	v12 =	vld.idx.msk [tilespmem:v6+s22+$0x0], $0xffff;
	(erf) = vpow2.f32 v10  }
0x118: {  	v10 =	vld.idx.msk [tilespmem:v6+s23+$0x0], $0xffff;
	(erf) = vpow2.f32 v11;
	_ =	sdelay $0x5  }
0x119: {  	v9 =	vsub.f32 v9, v12;
	v5 =	vsub.f32 v5, v10;
	_ =	sdelay $0x1  }
0x11a: {  	v9 =	vmul.f32 v9, v9;
	v5 =	vmul.f32 v5, v5;
	v6 =	vld.idx.msk [tilespmem:v6+s21+$0x0], $0xffff;
	v10 =	vpop (erf)  }
0x11b: {  	v11 =	vpop (erf)  }
0x11c: {  	v9 =	vmul.f32 v10, v9;
	v5 =	vmul.f32 v11, v5;
	_ =	sdelay $0x1  }
0x11d: {  	v5 =	vadd.f32 v5, v9  }
.Ltmp11:
0x11e: {  	(pc) =	sbr.rel @p1 .LBB2_22-.Ltmp11, $3  }
0x11f: {  	v7 =	vadd.f32 v8, v7;
	v6 =	vsub.f32 v6, v3;
	v5 =	vmul.f32 $5.000000000e-01, v5;
	_ =	sdelay $0x1  }
0x120: {  	v8 =	vmul.f32 $5.000000000e-01, v7;
	v9 =	vor.u32 s1, v0;
	v6 =	vsub.f32 v6, v5  }
0x121: {  	v7 =	vand.u32 v1, v4;
	s1 =	sadd.s32 $0x10, s1;
	v4 =	vmov v9;
	v5 =	vmul.u32 $0x3, v9  }
0x122: {  	v6 =	vsub.f32 v6, v8;
	_ =	sdelay $0x1  }
0x123: {  	v6 =	vadd.f32 $-1.837877040e+00, v6;
	_ =	sdelay $0x1  }
0x124: {  	[tilespmem:v7+s0+$0x0] =	vst.idx.msk $0xffff, v6  }
0x125: {  	v6 =	vld.idx.msk [tilespmem:v5+s3+$0x0], $0xffff;
	_ =	sdelay $0x4  }
0x126: {  	v6 =	vtrunc.f32 v6  }
0x127: {  	v6 =	vcvt.f32.s32 v6;
	_ =	sdelay $0x1  }
0x128: {  	v54 =	vshll.u32 v4, $0x4;
	v6 =	vand.u32 $0xF, v6  }
0x129: {  	v6 =	vor.u32 v54, v6;
	_ =	sdelay $0x4  }
0x12a: {  	v7 =	vld.idx.msk [tilespmem:v6+s24+$0x0], $0xffff  }
0x12b: {  	v55 =	vld.idx.msk [tilespmem:v6+s25+$0x0], $0xffff;
	_ =	sdelay $0x1  }
0x12c: {  	v9 =	vadd.s32 $0x1, v5  }
0x12d: {  	v56 =	vadd.s32 $0x2, v5  }
0x12e: {  	v10 =	vsub.f32 $0.0e+00, v7  }
0x12f: {  	v11 =	vsub.f32 $0.0e+00, v55  }
0x130: {  	v10 =	vmul.f32 $1.442695020e+00, v10  }
0x131: {  	v9 =	vld.idx.msk [tilespmem:v9+s3+$0x0], $0xffff;
	v11 =	vmul.f32 $1.442695020e+00, v11  }
0x132: {  	v5 =	vld.idx.msk [tilespmem:v56+s3+$0x0], $0xffff;
	(erf) = vpow2.f32 v10  }
0x133: {  	v57 =	vld.idx.msk [tilespmem:v6+s22+$0x0], $0xffff;
	(erf) = vpow2.f32 v11  }
0x134: {  	v58 =	vld.idx.msk [tilespmem:v6+s23+$0x0], $0xffff;
	_ =	sdelay $0x4  }
0x135: {  	v9 =	vsub.f32 v9, v57;
	v5 =	vsub.f32 v5, v58;
	_ =	sdelay $0x1  }
0x136: {  	v9 =	vmul.f32 v9, v9;
	v5 =	vmul.f32 v5, v5;
	v59 =	vpop (erf)  }
0x137: {  	v6 =	vld.idx.msk [tilespmem:v6+s21+$0x0], $0xffff;
	v60 =	vpop (erf)  }
0x138: {  	v9 =	vmul.f32 v59, v9;
	v5 =	vmul.f32 v60, v5;
	_ =	sdelay $0x1  }
0x139: {  	v5 =	vadd.f32 v5, v9;
	_ =	sdelay $0x1  }
0x13a: {  	v3 =	vsub.f32 v6, v3;
	v61 =	vadd.f32 v55, v7;
	v5 =	vmul.f32 $5.000000000e-01, v5;
	_ =	sdelay $0x1  }
0x13b: {  	v62 =	vmul.f32 $5.000000000e-01, v61;
	v3 =	vsub.f32 v3, v5  }
0x13c: {  	v63 =	vand.u32 v1, v4  }
0x13d: {  	v3 =	vsub.f32 v3, v62;
	_ =	sdelay $0x1  }
0x13e: {  	v3 =	vadd.f32 $-1.837877040e+00, v3  }
0x13f: {  	s6 =	sadd.s32 $0x1, s6  }
0x140: {  	p1 =	sne.s32 s6, s17;
	[tilespmem:v63+s0+$0x0] =	vst.idx.msk $0xffff, v3  }
0x141: {  	[hbm4b:s16+s3] =	stream.linear.scatter [tilespmem:s0], [sflag:$0x4], $0x200, $0x38;
	[tilespmem:$0xC430] =	vst v63  }
.Ltmp12:
0x142: {  	_ = 	snop;
	(pc) =	sbr.rel @p1 .LBB2_1-.Ltmp12, $4  }
.Ltmp13:
0x143: {  	_ = 	snop;
	(pc) =	sbr.rel @!p1 .LBB2_24-.Ltmp13, $4  }
0x144: {  	_ =	swait.ge [sflag:s29], $0x200  }
0x145: {  	[sflag:s29] =	ssyncset.done $0x0  }
0x146: {  	[sflag:s29] =	ssyncadd.s32 $0xFFFFFE00  }
0x147: {  	_ = 	snop  }
.LBB2_10:
.Ltmp14:
0x148: {  	(pc) =	sbr.rel .LBB2_21-.Ltmp14, $2  }
0x149: {  	_ =	sdelay $0x2  }
0x14a: {  	v7 =	vimm.f32 $0.0e+00;
	p2 =	por $0x0, $0x0;
	p3 =	por $0x0, $0x0;
	p4 =	por $0x0, $0x0  }
.LBB2_5:
.Ltmp15:
0x14b: {  	(pc) =	sbr.rel .LBB2_9-.Ltmp15, $2  }
0x14c: {  	_ =	sdelay $0x2  }
0x14d: {  	s1 =	simm.s32 $0x1;
	v6 =	vimm.f32 $-Inf;
	p4 =	por $0x0, $0x0  }
.LBB2_12:
.Ltmp16:
0x14e: {  	_ = 	snop;
	(pc) =	sbr.rel .LBB2_21-.Ltmp16, $2  }
0x14f: {  	_ =	sdelay $0x2  }
0x150: {  	v7 =	vimm.f32 $0.0e+00;
	p3 =	por $0x0, $0x0;
	p4 =	por $0x0, $0x0;
	v6 =	vmov v8  }
.LBB2_7:
.Ltmp17:
0x151: {  	(pc) =	sbr.rel .LBB2_9-.Ltmp17, $2  }
0x152: {  	_ =	sdelay $0x2  }
0x153: {  	v6 =	vimm.f32 $-Inf  }
.LBB2_14:
.Ltmp18:
0x154: {  	(pc) =	sbr.rel .LBB2_21-.Ltmp18, $2  }
0x155: {  	_ =	sdelay $0x2  }
0x156: {  	v7 =	vimm.f32 $0.0e+00;
	p4 =	por $0x0, $0x0  }
.LBB2_16:
.Ltmp19:
0x157: {  	_ = 	snop;
	(pc) =	sbr.rel .LBB2_21-.Ltmp19, $2  }
0x158: {  	_ =	sdelay $0x2  }
0x159: {  	v7 =	vimm.f32 $0.0e+00;
	v9 =	vmov v8;
	v6 =	vmov v11  }
.LBB2_18:
.Ltmp20:
0x15a: {  	(pc) =	sbr.rel .LBB2_21-.Ltmp20, $2  }
0x15b: {  	_ =	sdelay $0x2  }
0x15c: {  	v7 =	vimm.f32 $0.0e+00  }
.LBB2_24:
0x15d: {  	_ =	sfence.sel $0x180000  }
0x15e: {  	[bflag:$0x0] =	sbarrier.arrive $0xFFFF  }
0x15f: {  	_ =	strace $0x90000047  }
0x160: {  	s0 =	stileid.u32;
	[bflag:$0x2] =	sbarrier.arrive $0xFFFF  }
0x161: {  	p0 =	sne.s32 s0, $0x0;
	s0 =	rddreg [dreg:$0x4]  }
0x162: {  	s0 =	sadd.s32 @!p0 $0x100000, s0  }
0x163: {  	[sflag:s0] =	ssyncadd.tile.s32 @!p0 $0x1;
	_ =	shalt  }
.Lfunc_end2:
_tile_overlayer_lowered:
.L_overlay_start_2:
0x164: {  	(tag) =	ssettag $0x2  }
0x165: {  	s0 =	rddreg [dreg:$0x0];
	s2 =	stileid.u32  }
0x166: {  	s1 =	rddreg [dreg:$0x1];
	p0 =	sne.s32 s2, $0x0  }
0x167: {  	s3 =	rddreg [dreg:$0x2];
	[bflag:$0x3] =	sbarrier.arrive $0xFFFF;
	s2 =	simm.s32 @!p0 $0x1C04  }
0x168: {  	[timem:s3], [sflag:s2] =	dma.local @!p0 [hbm:s0], s1  }
0x169: {  	s0 =	simm.s32 @!p0 $0x4  }
0x16a: {  	_ =	swait.ge @!p0 [sflag:s0], s1  }
0x16b: {  	s1 =	ssub.s32 @!p0 $0x0, s1;
	[sflag:s0] =	ssyncset.done @!p0 $0x0  }
0x16c: {  	[sflag:s0] =	ssyncadd.s32 @!p0 s1  }
0x16d: {  	[bflag:$0x3] =	sbarrier.arrive $0xFFFF  }
0x16e: {  	_ =	shalt  }

</sc_bundles>
